<compile_context>
chip_gen: v7x
topology: tpu7x:2x2x1
jax: 0.10.2.dev20260603
libtpu: 0.0.44.dev20260713+nightly
codegen_flags: <defaults>
</compile_context>

<pallas_src>
import functools

import jax
import jax.numpy as jnp
from jax import lax
from jax.experimental import pallas as pl
from jax.experimental.pallas import tpu as pltpu
from jax.experimental.pallas import tpu_sc as plsc

_N = 10000
_E = 320000
_D = 128
_L = 3
_NC, _NS = 2, 16
_NW = _NC * _NS
_CHUNK = 128
_TOT = -(-_E // _CHUNK)
_NCH0 = 61
_NCH1 = -(-(_TOT - _NCH0 * _NS) // _NS)
_E_PAD = (_NCH0 + _NCH1) * _NS * _CHUNK
_N_PAD = 10240
_RPT = _N_PAD // _NS


def _sc_mesh():
    return plsc.VectorSubcoreMesh(core_axis_name="c", subcore_axis_name="s")


def _chunk_base(c, s):
    nch = jnp.where(c == 0, _NCH0, _NCH1)
    cbase = jnp.where(c == 0, s * _NCH0, _NS * _NCH0 + s * _NCH1)
    return cbase, nch


def _sc_agg(h, edges, zrows):

    @functools.partial(
        pl.kernel,
        out_type=jax.ShapeDtypeStruct((_NC, _N_PAD, _D), jnp.float32),
        mesh=_sc_mesh(),
        scratch_types=[
            pltpu.VMEM((2, _CHUNK), jnp.int32),
            pltpu.VMEM((_CHUNK, _D), jnp.float32),
            pltpu.SemaphoreType.DMA,
            pltpu.VMEM_SHARED((_N_PAD, _D), jnp.float32),
        ],
    )
    def k(h_hbm, e_hbm, z_hbm, out_hbm, idx_v, rows_v, sem, agg_sh):
        c = lax.axis_index("c")
        s = lax.axis_index("s")
        pltpu.sync_copy(z_hbm, agg_sh.at[pl.ds(s * _RPT, _RPT)])
        plsc.subcore_barrier()
        cbase, nch = _chunk_base(c, s)
        base = cbase * _CHUNK

        def body(j, carry):
            off = base + j * _CHUNK
            pltpu.sync_copy(e_hbm.at[0, pl.ds(off, _CHUNK)], idx_v.at[0])
            pltpu.sync_copy(e_hbm.at[1, pl.ds(off, _CHUNK)], idx_v.at[1])
            pltpu.async_copy(h_hbm.at[idx_v.at[0]], rows_v, sem).wait()
            pltpu.sync_copy(rows_v, agg_sh.at[idx_v.at[1]], add=True)
            return carry

        lax.fori_loop(0, nch, body, 0)
        plsc.subcore_barrier()
        pltpu.sync_copy(agg_sh.at[pl.ds(s * _RPT, _RPT)],
                        out_hbm.at[c, pl.ds(s * _RPT, _RPT)])

    return k(h, edges, zrows)


def _sc_deg(edges, ones_rows, zrows):

    @functools.partial(
        pl.kernel,
        out_type=jax.ShapeDtypeStruct((_NC, _N_PAD, _D), jnp.float32),
        mesh=_sc_mesh(),
        scratch_types=[
            pltpu.VMEM((2, _CHUNK), jnp.int32),
            pltpu.VMEM((_CHUNK, _D), jnp.float32),
            pltpu.VMEM_SHARED((_N_PAD, _D), jnp.float32),
        ],
    )
    def k(e_hbm, ones_hbm, z_hbm, out_hbm, idx_v, ones_v, deg_sh):
        c = lax.axis_index("c")
        s = lax.axis_index("s")
        pltpu.sync_copy(z_hbm, deg_sh.at[pl.ds(s * _RPT, _RPT)])
        pltpu.sync_copy(ones_hbm, ones_v)
        plsc.subcore_barrier()
        cbase, nch = _chunk_base(c, s)
        base = cbase * _CHUNK

        def body(j, carry):
            off = base + j * _CHUNK
            pltpu.sync_copy(e_hbm.at[1, pl.ds(off, _CHUNK)], idx_v.at[1])
            pltpu.sync_copy(ones_v, deg_sh.at[idx_v.at[1]], add=True)
            return carry

        lax.fori_loop(0, nch, body, 0)
        plsc.subcore_barrier()
        pltpu.sync_copy(deg_sh.at[pl.ds(s * _RPT, _RPT)],
                        out_hbm.at[c, pl.ds(s * _RPT, _RPT)])

    return k(edges, ones_rows, zrows)


def _tc_dense(h, agg2, inv_deg, wsl, wnl, bl, relu):
    br = 400
    grid = _N // br

    def body(h_ref, a_ref, dinv_ref, ws_ref, wn_ref, b_ref, o_ref):
        a = a_ref[0] + a_ref[1]
        mean = a * dinv_ref[...]
        out = jnp.dot(h_ref[...], ws_ref[...], preferred_element_type=jnp.float32)
        out = out + jnp.dot(mean, wn_ref[...], preferred_element_type=jnp.float32)
        out = out + b_ref[...]
        if relu:
            out = jnp.maximum(out, 0.0)
        o_ref[...] = out

    return pl.pallas_call(
        body,
        grid=(grid,),
        in_specs=[
            pl.BlockSpec((br, _D), lambda i: (i, 0)),
            pl.BlockSpec((_NC, br, _D), lambda i: (0, i, 0)),
            pl.BlockSpec((br, 1), lambda i: (i, 0)),
            pl.BlockSpec((_D, _D), lambda i: (0, 0)),
            pl.BlockSpec((_D, _D), lambda i: (0, 0)),
            pl.BlockSpec((1, _D), lambda i: (0, 0)),
        ],
        out_specs=pl.BlockSpec((br, _D), lambda i: (i, 0)),
        out_shape=jax.ShapeDtypeStruct((_N, _D), jnp.float32),
    )(h, agg2, inv_deg, wsl, wnl, bl.reshape(1, _D))


def kernel(features, edge_index, Ws, Wn, b):
    pad = _E_PAD - _E
    srcp = jnp.concatenate([edge_index[0], jnp.zeros((pad,), jnp.int32)])
    dstp = jnp.concatenate([edge_index[1], jnp.full((pad,), _N, jnp.int32)])
    edges = jnp.stack([srcp, dstp])
    z_d = jnp.zeros((_RPT, _D), jnp.float32)
    ones_rows = jnp.zeros((_CHUNK, _D), jnp.float32).at[:, 0].set(1.0)

    deg2 = _sc_deg(edges, ones_rows, z_d)
    deg = deg2[0, :_N, 0] + deg2[1, :_N, 0]
    inv_deg = (1.0 / jnp.maximum(deg, 1.0))[:, None]

    h = features
    for layer in range(_L):
        agg2 = _sc_agg(h, edges, z_d)
        h = _tc_dense(h, agg2, inv_deg, Ws[layer], Wn[layer], b[layer],
                      relu=(layer < _L - 1))
    return h

# --- scband reference (transcript-rebuilt; emitter-appended) ---
"""Pipeline reference for scband-gnn-31860067402229 (READ-ONLY COPY).

The authoritative reference and input builder live on the scoring server;
editing this copy changes nothing except your own understanding.
"""

import jax, jax.numpy as jnp
import numpy as np

N = 10000
E = 320000
D = 128
L = 3


def setup_inputs(seed: int = 0) -> dict:
    key = jax.random.key(seed)
    ks = jax.random.split(key, 6)
    features = jax.random.normal(ks[0], (N, D), dtype=jnp.float32)
    edge_index = jax.random.randint(ks[1], (2, E), 0, N, dtype=jnp.int32)
    # DGL SAGEConv('mean') parameters per layer: fc_self weight, fc_neigh weight, bias.
    # All layer dims are 128 -> 128 -> 128 (input_dim=hidden_dim=output_dim=128, num_layers=3).
    Ws = jax.random.normal(ks[2], (L, D, D), dtype=jnp.float32) * 0.05
    Wn = jax.random.normal(ks[3], (L, D, D), dtype=jnp.float32) * 0.05
    b = jnp.zeros((L, D), dtype=jnp.float32)
    return {"features": features, "edge_index": edge_index, "Ws": Ws, "Wn": Wn, "b": b}


def reference(features, edge_index, Ws, Wn, b):
    # GraphSAGE (mean aggregator), DGL semantics: out = fc_self(h_dst) + fc_neigh(mean_neigh) + bias
    # Blocks are modeled as the same full graph at every layer (num_dst_nodes == N).
    src = edge_index[0]
    dst = edge_index[1]
    deg = jax.ops.segment_sum(jnp.ones((E,), jnp.float32), dst, num_segments=N)
    deg = jnp.clip(deg, 1.0)[:, None]
    h = features
    for i in range(L):
        msg = jnp.take(h, src, axis=0)                      # gather over edges
        agg = jax.ops.segment_sum(msg, dst, num_segments=N) # scatter-add to dst nodes
        mean_neigh = agg / deg
        h_new = h @ Ws[i] + mean_neigh @ Wn[i] + b[i]
        if i < L - 1:
            h_new = jax.nn.relu(h_new)
        h = h_new
    return h

if __name__ == "__main__":
    import jax
    _d = setup_inputs()
    print(jax.jit(kernel)(*tuple(_d.values())))

</pallas_src>

<mosaic_0001>
#map = affine_map<(d0, d1) -> (0, 0)>
#map1 = affine_map<(d0, d1) -> (0, 0, 0)>
module attributes {stable_mosaic.version = 14 : i64} {
  func.func @k(%arg0: i32, %arg1: i32, %arg2: memref<10000x128xf32, #tpu.memory_space<hbm>>, %arg3: memref<2x321536xi32, #tpu.memory_space<hbm>>, %arg4: memref<640x128xf32, #tpu.memory_space<hbm>>, %arg5: memref<2x10240x128xf32, #tpu.memory_space<hbm>>, %arg6: memref<2x128xi32, #tpu.memory_space<vmem>>, %arg7: memref<128x128xf32, #tpu.memory_space<vmem>>, %arg8: memref<!tpu.dma_semaphore, #tpu.memory_space<semaphore_mem>>, %arg9: memref<10240x128xf32, #tpu.memory_space<vmem_shared>>) attributes {dimension_semantics = [#tpu.dimension_semantics<core_parallel>, #tpu.dimension_semantics<subcore_parallel>], iteration_bounds = array<i64: 2, 16>, scalar_prefetch = 0 : i64, scratch_operands = 4 : i64, tpu.core_type = #tpu.core_type<sc_vector_subcore>, window_params = [{transform_indices = #map}, {transform_indices = #map}, {transform_indices = #map}, {transform_indices = #map1}]} {
    %mul3A = arith.constant 640 : i32
    %mul3A_0 = arith.muli %arg1, %mul3A : i32
    "tpu.region"() ({
      %run_scoped3A = tpu.sem_alloc : memref<!tpu.dma_semaphore, #tpu.memory_space<semaphore_mem>>
      %dma_start3A = arith.constant 0 : i32
      %dma_start3A_27 = tpu.memref_slice %arg9[%mul3A_0, %dma_start3A] : memref<10240x128xf32, #tpu.memory_space<vmem_shared>> -> memref<640x128xf32, #tpu.memory_space<vmem_shared>>
      tpu.enqueue_dma source(%arg4 : memref<640x128xf32, #tpu.memory_space<hbm>>) target(%dma_start3A_27 : memref<640x128xf32, #tpu.memory_space<vmem_shared>>) target_semaphore(%run_scoped3A : memref<!tpu.dma_semaphore, #tpu.memory_space<semaphore_mem>>)
      %dma_wait3A = arith.constant 0 : i32
      %dma_wait3A_28 = tpu.memref_slice %arg9[%mul3A_0, %dma_wait3A] : memref<10240x128xf32, #tpu.memory_space<vmem_shared>> -> memref<640x128xf32, #tpu.memory_space<vmem_shared>>
      tpu.wait_dma2 semaphore(%run_scoped3A : memref<!tpu.dma_semaphore, #tpu.memory_space<semaphore_mem>>) src(%arg4 : memref<640x128xf32, #tpu.memory_space<hbm>>) dst(%dma_wait3A_28 : memref<640x128xf32, #tpu.memory_space<vmem_shared>>)
      tpu.yield
    }) : () -> ()
    %barrier3A = arith.constant 0 : index
    tpu.barrier barrier_id(%barrier3A)
    %eq3A = arith.constant 0 : i32
    %eq3A_1 = arith.cmpi eq, %arg0, %eq3A : i32
    %jit3A = arith.constant 61 : i32
    %jit3A_2 = arith.constant 96 : i32
    %select_n3A = arith.select %eq3A_1, %jit3A, %jit3A_2 : i32
    %eq3A_3 = arith.constant 0 : i32
    %eq3A_4 = arith.cmpi eq, %arg0, %eq3A_3 : i32
    %mul3A_5 = arith.constant 61 : i32
    %mul3A_6 = arith.muli %arg1, %mul3A_5 : i32
    %mul3A_7 = arith.constant 96 : i32
    %mul3A_8 = arith.muli %arg1, %mul3A_7 : i32
    %add3A = arith.constant 976 : i32
    %add3A_9 = arith.addi %add3A, %mul3A_8 : i32
    %select_n3A_10 = arith.select %eq3A_4, %mul3A_6, %add3A_9 : i32
    %mul3A_11 = arith.constant 128 : i32
    %mul3A_12 = arith.muli %select_n3A_10, %mul3A_11 : i32
    %while3A = arith.constant 0 : i32
    %while3A_13 = arith.constant 0 : i32
    %while3A_14 = arith.subi %select_n3A, %while3A_13 : i32
    %while3A_15 = arith.addi %while3A_13, %while3A_14 : i32
    %while3A_16 = arith.constant 1 : i32
    %while3A_17 = arith.divsi %while3A_14, %while3A_16 : i32
    %while3A_18 = arith.muli %while3A_17, %while3A_16 : i32
    %while3A_19 = arith.addi %while3A_13, %while3A_18 : i32
    %while3A_20 = arith.constant 1 : i32
    scf.for %while3A_27 = %while3A_13 to %while3A_19 step %while3A_20  : i32 {
      %mul3A_28 = arith.constant 128 : i32
      %mul3A_29 = arith.muli %while3A_27, %mul3A_28 : i32
      %add3A_30 = arith.addi %mul3A_12, %mul3A_29 : i32
      %run_scoped3A = arith.constant 0 : i32
      %run_scoped3A_31 = arith.constant 0 : i32
      "tpu.region"() ({
        %run_scoped3A_47 = tpu.sem_alloc : memref<!tpu.dma_semaphore, #tpu.memory_space<semaphore_mem>>
        %dma_start3A_48 = arith.constant 0 : i32
        %dma_start3A_49 = tpu.memref_slice %arg6[%run_scoped3A_31, %dma_start3A_48] : memref<2x128xi32, #tpu.memory_space<vmem>> -> memref<1x128xi32, #tpu.memory_space<vmem>>
        %dma_start3A_50 = tpu.memref_squeeze %dma_start3A_49 : memref<1x128xi32, #tpu.memory_space<vmem>> -> memref<128xi32, #tpu.memory_space<vmem>>
        %dma_start3A_51 = tpu.memref_slice %arg3[%run_scoped3A, %add3A_30] : memref<2x321536xi32, #tpu.memory_space<hbm>> -> memref<1x128xi32, #tpu.memory_space<hbm>>
        %dma_start3A_52 = tpu.memref_squeeze %dma_start3A_51 : memref<1x128xi32, #tpu.memory_space<hbm>> -> memref<128xi32, #tpu.memory_space<hbm>>
        %dma_start3A_53 = arith.constant 0 : i32
        %dma_start3A_54 = tpu.memref_slice %arg6[%run_scoped3A_31, %dma_start3A_53] : memref<2x128xi32, #tpu.memory_space<vmem>> -> memref<1x128xi32, #tpu.memory_space<vmem>>
        %dma_start3A_55 = tpu.memref_squeeze %dma_start3A_54 : memref<1x128xi32, #tpu.memory_space<vmem>> -> memref<128xi32, #tpu.memory_space<vmem>>
        %dma_start3A_56 = tpu.memref_slice %arg3[%run_scoped3A, %add3A_30] : memref<2x321536xi32, #tpu.memory_space<hbm>> -> memref<1x128xi32, #tpu.memory_space<hbm>>
        %dma_start3A_57 = tpu.memref_squeeze %dma_start3A_56 : memref<1x128xi32, #tpu.memory_space<hbm>> -> memref<128xi32, #tpu.memory_space<hbm>>
        tpu.enqueue_dma source(%dma_start3A_57 : memref<128xi32, #tpu.memory_space<hbm>>) target(%dma_start3A_55 : memref<128xi32, #tpu.memory_space<vmem>>) target_semaphore(%run_scoped3A_47 : memref<!tpu.dma_semaphore, #tpu.memory_space<semaphore_mem>>)
        %dma_wait3A_58 = arith.constant 0 : i32
        %dma_wait3A_59 = tpu.memref_slice %arg6[%run_scoped3A_31, %dma_wait3A_58] : memref<2x128xi32, #tpu.memory_space<vmem>> -> memref<1x128xi32, #tpu.memory_space<vmem>>
        %dma_wait3A_60 = tpu.memref_squeeze %dma_wait3A_59 : memref<1x128xi32, #tpu.memory_space<vmem>> -> memref<128xi32, #tpu.memory_space<vmem>>
        %dma_wait3A_61 = tpu.memref_slice %arg3[%run_scoped3A, %add3A_30] : memref<2x321536xi32, #tpu.memory_space<hbm>> -> memref<1x128xi32, #tpu.memory_space<hbm>>
        %dma_wait3A_62 = tpu.memref_squeeze %dma_wait3A_61 : memref<1x128xi32, #tpu.memory_space<hbm>> -> memref<128xi32, #tpu.memory_space<hbm>>
        %dma_wait3A_63 = arith.constant 0 : i32
        %dma_wait3A_64 = tpu.memref_slice %arg6[%run_scoped3A_31, %dma_wait3A_63] : memref<2x128xi32, #tpu.memory_space<vmem>> -> memref<1x128xi32, #tpu.memory_space<vmem>>
        %dma_wait3A_65 = tpu.memref_squeeze %dma_wait3A_64 : memref<1x128xi32, #tpu.memory_space<vmem>> -> memref<128xi32, #tpu.memory_space<vmem>>
        %dma_wait3A_66 = tpu.memref_slice %arg3[%run_scoped3A, %add3A_30] : memref<2x321536xi32, #tpu.memory_space<hbm>> -> memref<1x128xi32, #tpu.memory_space<hbm>>
        %dma_wait3A_67 = tpu.memref_squeeze %dma_wait3A_66 : memref<1x128xi32, #tpu.memory_space<hbm>> -> memref<128xi32, #tpu.memory_space<hbm>>
        tpu.wait_dma2 semaphore(%run_scoped3A_47 : memref<!tpu.dma_semaphore, #tpu.memory_space<semaphore_mem>>) src(%dma_wait3A_67 : memref<128xi32, #tpu.memory_space<hbm>>) dst(%dma_wait3A_65 : memref<128xi32, #tpu.memory_space<vmem>>)
        tpu.yield
      }) : () -> ()
      %run_scoped3A_32 = arith.constant 1 : i32
      %run_scoped3A_33 = arith.constant 1 : i32
      "tpu.region"() ({
        %run_scoped3A_47 = tpu.sem_alloc : memref<!tpu.dma_semaphore, #tpu.memory_space<semaphore_mem>>
        %dma_start3A_48 = arith.constant 0 : i32
        %dma_start3A_49 = tpu.memref_slice %arg6[%run_scoped3A_33, %dma_start3A_48] : memref<2x128xi32, #tpu.memory_space<vmem>> -> memref<1x128xi32, #tpu.memory_space<vmem>>
        %dma_start3A_50 = tpu.memref_squeeze %dma_start3A_49 : memref<1x128xi32, #tpu.memory_space<vmem>> -> memref<128xi32, #tpu.memory_space<vmem>>
        %dma_start3A_51 = tpu.memref_slice %arg3[%run_scoped3A_32, %add3A_30] : memref<2x321536xi32, #tpu.memory_space<hbm>> -> memref<1x128xi32, #tpu.memory_space<hbm>>
        %dma_start3A_52 = tpu.memref_squeeze %dma_start3A_51 : memref<1x128xi32, #tpu.memory_space<hbm>> -> memref<128xi32, #tpu.memory_space<hbm>>
        %dma_start3A_53 = arith.constant 0 : i32
        %dma_start3A_54 = tpu.memref_slice %arg6[%run_scoped3A_33, %dma_start3A_53] : memref<2x128xi32, #tpu.memory_space<vmem>> -> memref<1x128xi32, #tpu.memory_space<vmem>>
        %dma_start3A_55 = tpu.memref_squeeze %dma_start3A_54 : memref<1x128xi32, #tpu.memory_space<vmem>> -> memref<128xi32, #tpu.memory_space<vmem>>
        %dma_start3A_56 = tpu.memref_slice %arg3[%run_scoped3A_32, %add3A_30] : memref<2x321536xi32, #tpu.memory_space<hbm>> -> memref<1x128xi32, #tpu.memory_space<hbm>>
        %dma_start3A_57 = tpu.memref_squeeze %dma_start3A_56 : memref<1x128xi32, #tpu.memory_space<hbm>> -> memref<128xi32, #tpu.memory_space<hbm>>
        tpu.enqueue_dma source(%dma_start3A_57 : memref<128xi32, #tpu.memory_space<hbm>>) target(%dma_start3A_55 : memref<128xi32, #tpu.memory_space<vmem>>) target_semaphore(%run_scoped3A_47 : memref<!tpu.dma_semaphore, #tpu.memory_space<semaphore_mem>>)
        %dma_wait3A_58 = arith.constant 0 : i32
        %dma_wait3A_59 = tpu.memref_slice %arg6[%run_scoped3A_33, %dma_wait3A_58] : memref<2x128xi32, #tpu.memory_space<vmem>> -> memref<1x128xi32, #tpu.memory_space<vmem>>
        %dma_wait3A_60 = tpu.memref_squeeze %dma_wait3A_59 : memref<1x128xi32, #tpu.memory_space<vmem>> -> memref<128xi32, #tpu.memory_space<vmem>>
        %dma_wait3A_61 = tpu.memref_slice %arg3[%run_scoped3A_32, %add3A_30] : memref<2x321536xi32, #tpu.memory_space<hbm>> -> memref<1x128xi32, #tpu.memory_space<hbm>>
        %dma_wait3A_62 = tpu.memref_squeeze %dma_wait3A_61 : memref<1x128xi32, #tpu.memory_space<hbm>> -> memref<128xi32, #tpu.memory_space<hbm>>
        %dma_wait3A_63 = arith.constant 0 : i32
        %dma_wait3A_64 = tpu.memref_slice %arg6[%run_scoped3A_33, %dma_wait3A_63] : memref<2x128xi32, #tpu.memory_space<vmem>> -> memref<1x128xi32, #tpu.memory_space<vmem>>
        %dma_wait3A_65 = tpu.memref_squeeze %dma_wait3A_64 : memref<1x128xi32, #tpu.memory_space<vmem>> -> memref<128xi32, #tpu.memory_space<vmem>>
        %dma_wait3A_66 = tpu.memref_slice %arg3[%run_scoped3A_32, %add3A_30] : memref<2x321536xi32, #tpu.memory_space<hbm>> -> memref<1x128xi32, #tpu.memory_space<hbm>>
        %dma_wait3A_67 = tpu.memref_squeeze %dma_wait3A_66 : memref<1x128xi32, #tpu.memory_space<hbm>> -> memref<128xi32, #tpu.memory_space<hbm>>
        tpu.wait_dma2 semaphore(%run_scoped3A_47 : memref<!tpu.dma_semaphore, #tpu.memory_space<semaphore_mem>>) src(%dma_wait3A_67 : memref<128xi32, #tpu.memory_space<hbm>>) dst(%dma_wait3A_65 : memref<128xi32, #tpu.memory_space<vmem>>)
        tpu.yield
      }) : () -> ()
      %dma_start3A = arith.constant 0 : i32
      %dma_start3A_34 = arith.constant 0 : i32
      %dma_start3A_35 = tpu.memref_slice %arg6[%dma_start3A, %dma_start3A_34] : memref<2x128xi32, #tpu.memory_space<vmem>> -> memref<1x128xi32, #tpu.memory_space<vmem>>
      %dma_start3A_36 = tpu.memref_squeeze %dma_start3A_35 : memref<1x128xi32, #tpu.memory_space<vmem>> -> memref<128xi32, #tpu.memory_space<vmem>>
      %dma_start3A_37 = arith.constant 0 : i32
      %dma_start3A_38 = arith.constant 0 : i32
      %dma_start3A_39 = tpu.memref_slice %arg2[%dma_start3A_37, %dma_start3A_38] : memref<10000x128xf32, #tpu.memory_space<hbm>> -> memref<10000x128xf32, #tpu.memory_space<hbm>>
      tpu.enqueue_indirect_dma source(%dma_start3A_39 : memref<10000x128xf32, #tpu.memory_space<hbm>>) target(%arg7 : memref<128x128xf32, #tpu.memory_space<vmem>>) offsets(%dma_start3A_36 : memref<128xi32, #tpu.memory_space<vmem>>) semaphore(%arg8 : memref<!tpu.dma_semaphore, #tpu.memory_space<semaphore_mem>>)
      %dma_wait3A = arith.constant 0 : i32
      %dma_wait3A_40 = arith.constant 0 : i32
      %dma_wait3A_41 = tpu.memref_slice %arg6[%dma_wait3A, %dma_wait3A_40] : memref<2x128xi32, #tpu.memory_space<vmem>> -> memref<1x128xi32, #tpu.memory_space<vmem>>
      %dma_wait3A_42 = tpu.memref_squeeze %dma_wait3A_41 : memref<1x128xi32, #tpu.memory_space<vmem>> -> memref<128xi32, #tpu.memory_space<vmem>>
      %dma_wait3A_43 = arith.constant 0 : i32
      %dma_wait3A_44 = arith.constant 0 : i32
      %dma_wait3A_45 = tpu.memref_slice %arg2[%dma_wait3A_43, %dma_wait3A_44] : memref<10000x128xf32, #tpu.memory_space<hbm>> -> memref<10000x128xf32, #tpu.memory_space<hbm>>
      tpu.wait_indirect_dma semaphore(%arg8 : memref<!tpu.dma_semaphore, #tpu.memory_space<semaphore_mem>>) src(%dma_wait3A_45 : memref<10000x128xf32, #tpu.memory_space<hbm>>) dst(%arg7 : memref<128x128xf32, #tpu.memory_space<vmem>>)
      %run_scoped3A_46 = arith.constant 1 : i32
      "tpu.region"() ({
        %run_scoped3A_47 = tpu.sem_alloc : memref<!tpu.dma_semaphore, #tpu.memory_space<semaphore_mem>>
        %dma_start3A_48 = arith.constant 0 : i32
        %dma_start3A_49 = tpu.memref_slice %arg6[%run_scoped3A_46, %dma_start3A_48] : memref<2x128xi32, #tpu.memory_space<vmem>> -> memref<1x128xi32, #tpu.memory_space<vmem>>
        %dma_start3A_50 = tpu.memref_squeeze %dma_start3A_49 : memref<1x128xi32, #tpu.memory_space<vmem>> -> memref<128xi32, #tpu.memory_space<vmem>>
        %dma_start3A_51 = arith.constant 0 : i32
        %dma_start3A_52 = arith.constant 0 : i32
        %dma_start3A_53 = tpu.memref_slice %arg9[%dma_start3A_51, %dma_start3A_52] : memref<10240x128xf32, #tpu.memory_space<vmem_shared>> -> memref<10240x128xf32, #tpu.memory_space<vmem_shared>>
        tpu.enqueue_indirect_dma source(%arg7 : memref<128x128xf32, #tpu.memory_space<vmem>>) target(%dma_start3A_53 : memref<10240x128xf32, #tpu.memory_space<vmem_shared>>) offsets(%dma_start3A_50 : memref<128xi32, #tpu.memory_space<vmem>>) semaphore(%run_scoped3A_47 : memref<!tpu.dma_semaphore, #tpu.memory_space<semaphore_mem>>) {add = true}
        %dma_wait3A_54 = arith.constant 0 : i32
        %dma_wait3A_55 = tpu.memref_slice %arg6[%run_scoped3A_46, %dma_wait3A_54] : memref<2x128xi32, #tpu.memory_space<vmem>> -> memref<1x128xi32, #tpu.memory_space<vmem>>
        %dma_wait3A_56 = tpu.memref_squeeze %dma_wait3A_55 : memref<1x128xi32, #tpu.memory_space<vmem>> -> memref<128xi32, #tpu.memory_space<vmem>>
        %dma_wait3A_57 = arith.constant 0 : i32
        %dma_wait3A_58 = arith.constant 0 : i32
        %dma_wait3A_59 = tpu.memref_slice %arg9[%dma_wait3A_57, %dma_wait3A_58] : memref<10240x128xf32, #tpu.memory_space<vmem_shared>> -> memref<10240x128xf32, #tpu.memory_space<vmem_shared>>
        tpu.wait_indirect_dma semaphore(%run_scoped3A_47 : memref<!tpu.dma_semaphore, #tpu.memory_space<semaphore_mem>>) src(%arg7 : memref<128x128xf32, #tpu.memory_space<vmem>>) dst(%dma_wait3A_59 : memref<10240x128xf32, #tpu.memory_space<vmem_shared>>)
        tpu.yield
      }) : () -> ()
    }
    %while3A_21 = arith.constant 1 : i32
    scf.for %while3A_27 = %while3A_19 to %while3A_15 step %while3A_21  : i32 {
      %mul3A_28 = arith.constant 128 : i32
      %mul3A_29 = arith.muli %while3A_27, %mul3A_28 : i32
      %add3A_30 = arith.addi %mul3A_12, %mul3A_29 : i32
      %run_scoped3A = arith.constant 0 : i32
      %run_scoped3A_31 = arith.constant 0 : i32
      "tpu.region"() ({
        %run_scoped3A_47 = tpu.sem_alloc : memref<!tpu.dma_semaphore, #tpu.memory_space<semaphore_mem>>
        %dma_start3A_48 = arith.constant 0 : i32
        %dma_start3A_49 = tpu.memref_slice %arg6[%run_scoped3A_31, %dma_start3A_48] : memref<2x128xi32, #tpu.memory_space<vmem>> -> memref<1x128xi32, #tpu.memory_space<vmem>>
        %dma_start3A_50 = tpu.memref_squeeze %dma_start3A_49 : memref<1x128xi32, #tpu.memory_space<vmem>> -> memref<128xi32, #tpu.memory_space<vmem>>
        %dma_start3A_51 = tpu.memref_slice %arg3[%run_scoped3A, %add3A_30] : memref<2x321536xi32, #tpu.memory_space<hbm>> -> memref<1x128xi32, #tpu.memory_space<hbm>>
        %dma_start3A_52 = tpu.memref_squeeze %dma_start3A_51 : memref<1x128xi32, #tpu.memory_space<hbm>> -> memref<128xi32, #tpu.memory_space<hbm>>
        %dma_start3A_53 = arith.constant 0 : i32
        %dma_start3A_54 = tpu.memref_slice %arg6[%run_scoped3A_31, %dma_start3A_53] : memref<2x128xi32, #tpu.memory_space<vmem>> -> memref<1x128xi32, #tpu.memory_space<vmem>>
        %dma_start3A_55 = tpu.memref_squeeze %dma_start3A_54 : memref<1x128xi32, #tpu.memory_space<vmem>> -> memref<128xi32, #tpu.memory_space<vmem>>
        %dma_start3A_56 = tpu.memref_slice %arg3[%run_scoped3A, %add3A_30] : memref<2x321536xi32, #tpu.memory_space<hbm>> -> memref<1x128xi32, #tpu.memory_space<hbm>>
        %dma_start3A_57 = tpu.memref_squeeze %dma_start3A_56 : memref<1x128xi32, #tpu.memory_space<hbm>> -> memref<128xi32, #tpu.memory_space<hbm>>
        tpu.enqueue_dma source(%dma_start3A_57 : memref<128xi32, #tpu.memory_space<hbm>>) target(%dma_start3A_55 : memref<128xi32, #tpu.memory_space<vmem>>) target_semaphore(%run_scoped3A_47 : memref<!tpu.dma_semaphore, #tpu.memory_space<semaphore_mem>>)
        %dma_wait3A_58 = arith.constant 0 : i32
        %dma_wait3A_59 = tpu.memref_slice %arg6[%run_scoped3A_31, %dma_wait3A_58] : memref<2x128xi32, #tpu.memory_space<vmem>> -> memref<1x128xi32, #tpu.memory_space<vmem>>
        %dma_wait3A_60 = tpu.memref_squeeze %dma_wait3A_59 : memref<1x128xi32, #tpu.memory_space<vmem>> -> memref<128xi32, #tpu.memory_space<vmem>>
        %dma_wait3A_61 = tpu.memref_slice %arg3[%run_scoped3A, %add3A_30] : memref<2x321536xi32, #tpu.memory_space<hbm>> -> memref<1x128xi32, #tpu.memory_space<hbm>>
        %dma_wait3A_62 = tpu.memref_squeeze %dma_wait3A_61 : memref<1x128xi32, #tpu.memory_space<hbm>> -> memref<128xi32, #tpu.memory_space<hbm>>
        %dma_wait3A_63 = arith.constant 0 : i32
        %dma_wait3A_64 = tpu.memref_slice %arg6[%run_scoped3A_31, %dma_wait3A_63] : memref<2x128xi32, #tpu.memory_space<vmem>> -> memref<1x128xi32, #tpu.memory_space<vmem>>
        %dma_wait3A_65 = tpu.memref_squeeze %dma_wait3A_64 : memref<1x128xi32, #tpu.memory_space<vmem>> -> memref<128xi32, #tpu.memory_space<vmem>>
        %dma_wait3A_66 = tpu.memref_slice %arg3[%run_scoped3A, %add3A_30] : memref<2x321536xi32, #tpu.memory_space<hbm>> -> memref<1x128xi32, #tpu.memory_space<hbm>>
        %dma_wait3A_67 = tpu.memref_squeeze %dma_wait3A_66 : memref<1x128xi32, #tpu.memory_space<hbm>> -> memref<128xi32, #tpu.memory_space<hbm>>
        tpu.wait_dma2 semaphore(%run_scoped3A_47 : memref<!tpu.dma_semaphore, #tpu.memory_space<semaphore_mem>>) src(%dma_wait3A_67 : memref<128xi32, #tpu.memory_space<hbm>>) dst(%dma_wait3A_65 : memref<128xi32, #tpu.memory_space<vmem>>)
        tpu.yield
      }) : () -> ()
      %run_scoped3A_32 = arith.constant 1 : i32
      %run_scoped3A_33 = arith.constant 1 : i32
      "tpu.region"() ({
        %run_scoped3A_47 = tpu.sem_alloc : memref<!tpu.dma_semaphore, #tpu.memory_space<semaphore_mem>>
        %dma_start3A_48 = arith.constant 0 : i32
        %dma_start3A_49 = tpu.memref_slice %arg6[%run_scoped3A_33, %dma_start3A_48] : memref<2x128xi32, #tpu.memory_space<vmem>> -> memref<1x128xi32, #tpu.memory_space<vmem>>
        %dma_start3A_50 = tpu.memref_squeeze %dma_start3A_49 : memref<1x128xi32, #tpu.memory_space<vmem>> -> memref<128xi32, #tpu.memory_space<vmem>>
        %dma_start3A_51 = tpu.memref_slice %arg3[%run_scoped3A_32, %add3A_30] : memref<2x321536xi32, #tpu.memory_space<hbm>> -> memref<1x128xi32, #tpu.memory_space<hbm>>
        %dma_start3A_52 = tpu.memref_squeeze %dma_start3A_51 : memref<1x128xi32, #tpu.memory_space<hbm>> -> memref<128xi32, #tpu.memory_space<hbm>>
        %dma_start3A_53 = arith.constant 0 : i32
        %dma_start3A_54 = tpu.memref_slice %arg6[%run_scoped3A_33, %dma_start3A_53] : memref<2x128xi32, #tpu.memory_space<vmem>> -> memref<1x128xi32, #tpu.memory_space<vmem>>
        %dma_start3A_55 = tpu.memref_squeeze %dma_start3A_54 : memref<1x128xi32, #tpu.memory_space<vmem>> -> memref<128xi32, #tpu.memory_space<vmem>>
        %dma_start3A_56 = tpu.memref_slice %arg3[%run_scoped3A_32, %add3A_30] : memref<2x321536xi32, #tpu.memory_space<hbm>> -> memref<1x128xi32, #tpu.memory_space<hbm>>
        %dma_start3A_57 = tpu.memref_squeeze %dma_start3A_56 : memref<1x128xi32, #tpu.memory_space<hbm>> -> memref<128xi32, #tpu.memory_space<hbm>>
        tpu.enqueue_dma source(%dma_start3A_57 : memref<128xi32, #tpu.memory_space<hbm>>) target(%dma_start3A_55 : memref<128xi32, #tpu.memory_space<vmem>>) target_semaphore(%run_scoped3A_47 : memref<!tpu.dma_semaphore, #tpu.memory_space<semaphore_mem>>)
        %dma_wait3A_58 = arith.constant 0 : i32
        %dma_wait3A_59 = tpu.memref_slice %arg6[%run_scoped3A_33, %dma_wait3A_58] : memref<2x128xi32, #tpu.memory_space<vmem>> -> memref<1x128xi32, #tpu.memory_space<vmem>>
        %dma_wait3A_60 = tpu.memref_squeeze %dma_wait3A_59 : memref<1x128xi32, #tpu.memory_space<vmem>> -> memref<128xi32, #tpu.memory_space<vmem>>
        %dma_wait3A_61 = tpu.memref_slice %arg3[%run_scoped3A_32, %add3A_30] : memref<2x321536xi32, #tpu.memory_space<hbm>> -> memref<1x128xi32, #tpu.memory_space<hbm>>
        %dma_wait3A_62 = tpu.memref_squeeze %dma_wait3A_61 : memref<1x128xi32, #tpu.memory_space<hbm>> -> memref<128xi32, #tpu.memory_space<hbm>>
        %dma_wait3A_63 = arith.constant 0 : i32
        %dma_wait3A_64 = tpu.memref_slice %arg6[%run_scoped3A_33, %dma_wait3A_63] : memref<2x128xi32, #tpu.memory_space<vmem>> -> memref<1x128xi32, #tpu.memory_space<vmem>>
        %dma_wait3A_65 = tpu.memref_squeeze %dma_wait3A_64 : memref<1x128xi32, #tpu.memory_space<vmem>> -> memref<128xi32, #tpu.memory_space<vmem>>
        %dma_wait3A_66 = tpu.memref_slice %arg3[%run_scoped3A_32, %add3A_30] : memref<2x321536xi32, #tpu.memory_space<hbm>> -> memref<1x128xi32, #tpu.memory_space<hbm>>
        %dma_wait3A_67 = tpu.memref_squeeze %dma_wait3A_66 : memref<1x128xi32, #tpu.memory_space<hbm>> -> memref<128xi32, #tpu.memory_space<hbm>>
        tpu.wait_dma2 semaphore(%run_scoped3A_47 : memref<!tpu.dma_semaphore, #tpu.memory_space<semaphore_mem>>) src(%dma_wait3A_67 : memref<128xi32, #tpu.memory_space<hbm>>) dst(%dma_wait3A_65 : memref<128xi32, #tpu.memory_space<vmem>>)
        tpu.yield
      }) : () -> ()
      %dma_start3A = arith.constant 0 : i32
      %dma_start3A_34 = arith.constant 0 : i32
      %dma_start3A_35 = tpu.memref_slice %arg6[%dma_start3A, %dma_start3A_34] : memref<2x128xi32, #tpu.memory_space<vmem>> -> memref<1x128xi32, #tpu.memory_space<vmem>>
      %dma_start3A_36 = tpu.memref_squeeze %dma_start3A_35 : memref<1x128xi32, #tpu.memory_space<vmem>> -> memref<128xi32, #tpu.memory_space<vmem>>
      %dma_start3A_37 = arith.constant 0 : i32
      %dma_start3A_38 = arith.constant 0 : i32
      %dma_start3A_39 = tpu.memref_slice %arg2[%dma_start3A_37, %dma_start3A_38] : memref<10000x128xf32, #tpu.memory_space<hbm>> -> memref<10000x128xf32, #tpu.memory_space<hbm>>
      tpu.enqueue_indirect_dma source(%dma_start3A_39 : memref<10000x128xf32, #tpu.memory_space<hbm>>) target(%arg7 : memref<128x128xf32, #tpu.memory_space<vmem>>) offsets(%dma_start3A_36 : memref<128xi32, #tpu.memory_space<vmem>>) semaphore(%arg8 : memref<!tpu.dma_semaphore, #tpu.memory_space<semaphore_mem>>)
      %dma_wait3A = arith.constant 0 : i32
      %dma_wait3A_40 = arith.constant 0 : i32
      %dma_wait3A_41 = tpu.memref_slice %arg6[%dma_wait3A, %dma_wait3A_40] : memref<2x128xi32, #tpu.memory_space<vmem>> -> memref<1x128xi32, #tpu.memory_space<vmem>>
      %dma_wait3A_42 = tpu.memref_squeeze %dma_wait3A_41 : memref<1x128xi32, #tpu.memory_space<vmem>> -> memref<128xi32, #tpu.memory_space<vmem>>
      %dma_wait3A_43 = arith.constant 0 : i32
      %dma_wait3A_44 = arith.constant 0 : i32
      %dma_wait3A_45 = tpu.memref_slice %arg2[%dma_wait3A_43, %dma_wait3A_44] : memref<10000x128xf32, #tpu.memory_space<hbm>> -> memref<10000x128xf32, #tpu.memory_space<hbm>>
      tpu.wait_indirect_dma semaphore(%arg8 : memref<!tpu.dma_semaphore, #tpu.memory_space<semaphore_mem>>) src(%dma_wait3A_45 : memref<10000x128xf32, #tpu.memory_space<hbm>>) dst(%arg7 : memref<128x128xf32, #tpu.memory_space<vmem>>)
      %run_scoped3A_46 = arith.constant 1 : i32
      "tpu.region"() ({
        %run_scoped3A_47 = tpu.sem_alloc : memref<!tpu.dma_semaphore, #tpu.memory_space<semaphore_mem>>
        %dma_start3A_48 = arith.constant 0 : i32
        %dma_start3A_49 = tpu.memref_slice %arg6[%run_scoped3A_46, %dma_start3A_48] : memref<2x128xi32, #tpu.memory_space<vmem>> -> memref<1x128xi32, #tpu.memory_space<vmem>>
        %dma_start3A_50 = tpu.memref_squeeze %dma_start3A_49 : memref<1x128xi32, #tpu.memory_space<vmem>> -> memref<128xi32, #tpu.memory_space<vmem>>
        %dma_start3A_51 = arith.constant 0 : i32
        %dma_start3A_52 = arith.constant 0 : i32
        %dma_start3A_53 = tpu.memref_slice %arg9[%dma_start3A_51, %dma_start3A_52] : memref<10240x128xf32, #tpu.memory_space<vmem_shared>> -> memref<10240x128xf32, #tpu.memory_space<vmem_shared>>
        tpu.enqueue_indirect_dma source(%arg7 : memref<128x128xf32, #tpu.memory_space<vmem>>) target(%dma_start3A_53 : memref<10240x128xf32, #tpu.memory_space<vmem_shared>>) offsets(%dma_start3A_50 : memref<128xi32, #tpu.memory_space<vmem>>) semaphore(%run_scoped3A_47 : memref<!tpu.dma_semaphore, #tpu.memory_space<semaphore_mem>>) {add = true}
        %dma_wait3A_54 = arith.constant 0 : i32
        %dma_wait3A_55 = tpu.memref_slice %arg6[%run_scoped3A_46, %dma_wait3A_54] : memref<2x128xi32, #tpu.memory_space<vmem>> -> memref<1x128xi32, #tpu.memory_space<vmem>>
        %dma_wait3A_56 = tpu.memref_squeeze %dma_wait3A_55 : memref<1x128xi32, #tpu.memory_space<vmem>> -> memref<128xi32, #tpu.memory_space<vmem>>
        %dma_wait3A_57 = arith.constant 0 : i32
        %dma_wait3A_58 = arith.constant 0 : i32
        %dma_wait3A_59 = tpu.memref_slice %arg9[%dma_wait3A_57, %dma_wait3A_58] : memref<10240x128xf32, #tpu.memory_space<vmem_shared>> -> memref<10240x128xf32, #tpu.memory_space<vmem_shared>>
        tpu.wait_indirect_dma semaphore(%run_scoped3A_47 : memref<!tpu.dma_semaphore, #tpu.memory_space<semaphore_mem>>) src(%arg7 : memref<128x128xf32, #tpu.memory_space<vmem>>) dst(%dma_wait3A_59 : memref<10240x128xf32, #tpu.memory_space<vmem_shared>>)
        tpu.yield
      }) : () -> ()
    }
    %barrier3A_22 = arith.constant 0 : index
    tpu.barrier barrier_id(%barrier3A_22)
    %mul3A_23 = arith.constant 640 : i32
    %mul3A_24 = arith.muli %arg1, %mul3A_23 : i32
    %mul3A_25 = arith.constant 640 : i32
    %mul3A_26 = arith.muli %arg1, %mul3A_25 : i32
    "tpu.region"() ({
      %run_scoped3A = tpu.sem_alloc : memref<!tpu.dma_semaphore, #tpu.memory_space<semaphore_mem>>
      %dma_start3A = arith.constant 0 : i32
      %dma_start3A_27 = tpu.memref_slice %arg5[%arg0, %mul3A_26, %dma_start3A] : memref<2x10240x128xf32, #tpu.memory_space<hbm>> -> memref<1x640x128xf32, #tpu.memory_space<hbm>>
      %dma_start3A_28 = tpu.memref_squeeze %dma_start3A_27 : memref<1x640x128xf32, #tpu.memory_space<hbm>> -> memref<640x128xf32, #tpu.memory_space<hbm>>
      %dma_start3A_29 = arith.constant 0 : i32
      %dma_start3A_30 = tpu.memref_slice %arg9[%mul3A_24, %dma_start3A_29] : memref<10240x128xf32, #tpu.memory_space<vmem_shared>> -> memref<640x128xf32, #tpu.memory_space<vmem_shared>>
      tpu.enqueue_dma source(%dma_start3A_30 : memref<640x128xf32, #tpu.memory_space<vmem_shared>>) target(%dma_start3A_28 : memref<640x128xf32, #tpu.memory_space<hbm>>) target_semaphore(%run_scoped3A : memref<!tpu.dma_semaphore, #tpu.memory_space<semaphore_mem>>)
      %dma_wait3A = arith.constant 0 : i32
      %dma_wait3A_31 = tpu.memref_slice %arg5[%arg0, %mul3A_26, %dma_wait3A] : memref<2x10240x128xf32, #tpu.memory_space<hbm>> -> memref<1x640x128xf32, #tpu.memory_space<hbm>>
      %dma_wait3A_32 = tpu.memref_squeeze %dma_wait3A_31 : memref<1x640x128xf32, #tpu.memory_space<hbm>> -> memref<640x128xf32, #tpu.memory_space<hbm>>
      %dma_wait3A_33 = arith.constant 0 : i32
      %dma_wait3A_34 = tpu.memref_slice %arg9[%mul3A_24, %dma_wait3A_33] : memref<10240x128xf32, #tpu.memory_space<vmem_shared>> -> memref<640x128xf32, #tpu.memory_space<vmem_shared>>
      tpu.wait_dma2 semaphore(%run_scoped3A : memref<!tpu.dma_semaphore, #tpu.memory_space<semaphore_mem>>) src(%dma_wait3A_34 : memref<640x128xf32, #tpu.memory_space<vmem_shared>>) dst(%dma_wait3A_32 : memref<640x128xf32, #tpu.memory_space<hbm>>)
      tpu.yield
    }) : () -> ()
    return
  }
}

#map = affine_map<(d0, d1) -> (0, 0)>
#map1 = affine_map<(d0, d1) -> (0, 0, 0)>
module attributes {stable_mosaic.version = 14 : i64} {
  func.func @k(%arg0: i32, %arg1: i32, %arg2: memref<2x321536xi32, #tpu.memory_space<hbm>>, %arg3: memref<128x128xf32, #tpu.memory_space<hbm>>, %arg4: memref<640x128xf32, #tpu.memory_space<hbm>>, %arg5: memref<2x10240x128xf32, #tpu.memory_space<hbm>>, %arg6: memref<2x128xi32, #tpu.memory_space<vmem>>, %arg7: memref<128x128xf32, #tpu.memory_space<vmem>>, %arg8: memref<10240x128xf32, #tpu.memory_space<vmem_shared>>) attributes {dimension_semantics = [#tpu.dimension_semantics<core_parallel>, #tpu.dimension_semantics<subcore_parallel>], iteration_bounds = array<i64: 2, 16>, scalar_prefetch = 0 : i64, scratch_operands = 3 : i64, tpu.core_type = #tpu.core_type<sc_vector_subcore>, window_params = [{transform_indices = #map}, {transform_indices = #map}, {transform_indices = #map}, {transform_indices = #map1}]} {
    %mul3A = arith.constant 640 : i32
    %mul3A_0 = arith.muli %arg1, %mul3A : i32
    "tpu.region"() ({
      %run_scoped3A = tpu.sem_alloc : memref<!tpu.dma_semaphore, #tpu.memory_space<semaphore_mem>>
      %dma_start3A = arith.constant 0 : i32
      %dma_start3A_27 = tpu.memref_slice %arg8[%mul3A_0, %dma_start3A] : memref<10240x128xf32, #tpu.memory_space<vmem_shared>> -> memref<640x128xf32, #tpu.memory_space<vmem_shared>>
      tpu.enqueue_dma source(%arg4 : memref<640x128xf32, #tpu.memory_space<hbm>>) target(%dma_start3A_27 : memref<640x128xf32, #tpu.memory_space<vmem_shared>>) target_semaphore(%run_scoped3A : memref<!tpu.dma_semaphore, #tpu.memory_space<semaphore_mem>>)
      %dma_wait3A = arith.constant 0 : i32
      %dma_wait3A_28 = tpu.memref_slice %arg8[%mul3A_0, %dma_wait3A] : memref<10240x128xf32, #tpu.memory_space<vmem_shared>> -> memref<640x128xf32, #tpu.memory_space<vmem_shared>>
      tpu.wait_dma2 semaphore(%run_scoped3A : memref<!tpu.dma_semaphore, #tpu.memory_space<semaphore_mem>>) src(%arg4 : memref<640x128xf32, #tpu.memory_space<hbm>>) dst(%dma_wait3A_28 : memref<640x128xf32, #tpu.memory_space<vmem_shared>>)
      tpu.yield
    }) : () -> ()
    "tpu.region"() ({
      %run_scoped3A = tpu.sem_alloc : memref<!tpu.dma_semaphore, #tpu.memory_space<semaphore_mem>>
      tpu.enqueue_dma source(%arg3 : memref<128x128xf32, #tpu.memory_space<hbm>>) target(%arg7 : memref<128x128xf32, #tpu.memory_space<vmem>>) target_semaphore(%run_scoped3A : memref<!tpu.dma_semaphore, #tpu.memory_space<semaphore_mem>>)
      tpu.wait_dma2 semaphore(%run_scoped3A : memref<!tpu.dma_semaphore, #tpu.memory_space<semaphore_mem>>) src(%arg3 : memref<128x128xf32, #tpu.memory_space<hbm>>) dst(%arg7 : memref<128x128xf32, #tpu.memory_space<vmem>>)
      tpu.yield
    }) : () -> ()
    %barrier3A = arith.constant 0 : index
    tpu.barrier barrier_id(%barrier3A)
    %eq3A = arith.constant 0 : i32
    %eq3A_1 = arith.cmpi eq, %arg0, %eq3A : i32
    %jit3A = arith.constant 61 : i32
    %jit3A_2 = arith.constant 96 : i32
    %select_n3A = arith.select %eq3A_1, %jit3A, %jit3A_2 : i32
    %eq3A_3 = arith.constant 0 : i32
    %eq3A_4 = arith.cmpi eq, %arg0, %eq3A_3 : i32
    %mul3A_5 = arith.constant 61 : i32
    %mul3A_6 = arith.muli %arg1, %mul3A_5 : i32
    %mul3A_7 = arith.constant 96 : i32
    %mul3A_8 = arith.muli %arg1, %mul3A_7 : i32
    %add3A = arith.constant 976 : i32
    %add3A_9 = arith.addi %add3A, %mul3A_8 : i32
    %select_n3A_10 = arith.select %eq3A_4, %mul3A_6, %add3A_9 : i32
    %mul3A_11 = arith.constant 128 : i32
    %mul3A_12 = arith.muli %select_n3A_10, %mul3A_11 : i32
    %while3A = arith.constant 0 : i32
    %while3A_13 = arith.constant 0 : i32
    %while3A_14 = arith.subi %select_n3A, %while3A_13 : i32
    %while3A_15 = arith.addi %while3A_13, %while3A_14 : i32
    %while3A_16 = arith.constant 1 : i32
    %while3A_17 = arith.divsi %while3A_14, %while3A_16 : i32
    %while3A_18 = arith.muli %while3A_17, %while3A_16 : i32
    %while3A_19 = arith.addi %while3A_13, %while3A_18 : i32
    %while3A_20 = arith.constant 1 : i32
    scf.for %while3A_27 = %while3A_13 to %while3A_19 step %while3A_20  : i32 {
      %mul3A_28 = arith.constant 128 : i32
      %mul3A_29 = arith.muli %while3A_27, %mul3A_28 : i32
      %add3A_30 = arith.addi %mul3A_12, %mul3A_29 : i32
      %run_scoped3A = arith.constant 1 : i32
      %run_scoped3A_31 = arith.constant 1 : i32
      "tpu.region"() ({
        %run_scoped3A_33 = tpu.sem_alloc : memref<!tpu.dma_semaphore, #tpu.memory_space<semaphore_mem>>
        %dma_start3A = arith.constant 0 : i32
        %dma_start3A_34 = tpu.memref_slice %arg6[%run_scoped3A_31, %dma_start3A] : memref<2x128xi32, #tpu.memory_space<vmem>> -> memref<1x128xi32, #tpu.memory_space<vmem>>
        %dma_start3A_35 = tpu.memref_squeeze %dma_start3A_34 : memref<1x128xi32, #tpu.memory_space<vmem>> -> memref<128xi32, #tpu.memory_space<vmem>>
        %dma_start3A_36 = tpu.memref_slice %arg2[%run_scoped3A, %add3A_30] : memref<2x321536xi32, #tpu.memory_space<hbm>> -> memref<1x128xi32, #tpu.memory_space<hbm>>
        %dma_start3A_37 = tpu.memref_squeeze %dma_start3A_36 : memref<1x128xi32, #tpu.memory_space<hbm>> -> memref<128xi32, #tpu.memory_space<hbm>>
        %dma_start3A_38 = arith.constant 0 : i32
        %dma_start3A_39 = tpu.memref_slice %arg6[%run_scoped3A_31, %dma_start3A_38] : memref<2x128xi32, #tpu.memory_space<vmem>> -> memref<1x128xi32, #tpu.memory_space<vmem>>
        %dma_start3A_40 = tpu.memref_squeeze %dma_start3A_39 : memref<1x128xi32, #tpu.memory_space<vmem>> -> memref<128xi32, #tpu.memory_space<vmem>>
        %dma_start3A_41 = tpu.memref_slice %arg2[%run_scoped3A, %add3A_30] : memref<2x321536xi32, #tpu.memory_space<hbm>> -> memref<1x128xi32, #tpu.memory_space<hbm>>
        %dma_start3A_42 = tpu.memref_squeeze %dma_start3A_41 : memref<1x128xi32, #tpu.memory_space<hbm>> -> memref<128xi32, #tpu.memory_space<hbm>>
        tpu.enqueue_dma source(%dma_start3A_42 : memref<128xi32, #tpu.memory_space<hbm>>) target(%dma_start3A_40 : memref<128xi32, #tpu.memory_space<vmem>>) target_semaphore(%run_scoped3A_33 : memref<!tpu.dma_semaphore, #tpu.memory_space<semaphore_mem>>)
        %dma_wait3A = arith.constant 0 : i32
        %dma_wait3A_43 = tpu.memref_slice %arg6[%run_scoped3A_31, %dma_wait3A] : memref<2x128xi32, #tpu.memory_space<vmem>> -> memref<1x128xi32, #tpu.memory_space<vmem>>
        %dma_wait3A_44 = tpu.memref_squeeze %dma_wait3A_43 : memref<1x128xi32, #tpu.memory_space<vmem>> -> memref<128xi32, #tpu.memory_space<vmem>>
        %dma_wait3A_45 = tpu.memref_slice %arg2[%run_scoped3A, %add3A_30] : memref<2x321536xi32, #tpu.memory_space<hbm>> -> memref<1x128xi32, #tpu.memory_space<hbm>>
        %dma_wait3A_46 = tpu.memref_squeeze %dma_wait3A_45 : memref<1x128xi32, #tpu.memory_space<hbm>> -> memref<128xi32, #tpu.memory_space<hbm>>
        %dma_wait3A_47 = arith.constant 0 : i32
        %dma_wait3A_48 = tpu.memref_slice %arg6[%run_scoped3A_31, %dma_wait3A_47] : memref<2x128xi32, #tpu.memory_space<vmem>> -> memref<1x128xi32, #tpu.memory_space<vmem>>
        %dma_wait3A_49 = tpu.memref_squeeze %dma_wait3A_48 : memref<1x128xi32, #tpu.memory_space<vmem>> -> memref<128xi32, #tpu.memory_space<vmem>>
        %dma_wait3A_50 = tpu.memref_slice %arg2[%run_scoped3A, %add3A_30] : memref<2x321536xi32, #tpu.memory_space<hbm>> -> memref<1x128xi32, #tpu.memory_space<hbm>>
        %dma_wait3A_51 = tpu.memref_squeeze %dma_wait3A_50 : memref<1x128xi32, #tpu.memory_space<hbm>> -> memref<128xi32, #tpu.memory_space<hbm>>
        tpu.wait_dma2 semaphore(%run_scoped3A_33 : memref<!tpu.dma_semaphore, #tpu.memory_space<semaphore_mem>>) src(%dma_wait3A_51 : memref<128xi32, #tpu.memory_space<hbm>>) dst(%dma_wait3A_49 : memref<128xi32, #tpu.memory_space<vmem>>)
        tpu.yield
      }) : () -> ()
      %run_scoped3A_32 = arith.constant 1 : i32
      "tpu.region"() ({
        %run_scoped3A_33 = tpu.sem_alloc : memref<!tpu.dma_semaphore, #tpu.memory_space<semaphore_mem>>
        %dma_start3A = arith.constant 0 : i32
        %dma_start3A_34 = tpu.memref_slice %arg6[%run_scoped3A_32, %dma_start3A] : memref<2x128xi32, #tpu.memory_space<vmem>> -> memref<1x128xi32, #tpu.memory_space<vmem>>
        %dma_start3A_35 = tpu.memref_squeeze %dma_start3A_34 : memref<1x128xi32, #tpu.memory_space<vmem>> -> memref<128xi32, #tpu.memory_space<vmem>>
        %dma_start3A_36 = arith.constant 0 : i32
        %dma_start3A_37 = arith.constant 0 : i32
        %dma_start3A_38 = tpu.memref_slice %arg8[%dma_start3A_36, %dma_start3A_37] : memref<10240x128xf32, #tpu.memory_space<vmem_shared>> -> memref<10240x128xf32, #tpu.memory_space<vmem_shared>>
        tpu.enqueue_indirect_dma source(%arg7 : memref<128x128xf32, #tpu.memory_space<vmem>>) target(%dma_start3A_38 : memref<10240x128xf32, #tpu.memory_space<vmem_shared>>) offsets(%dma_start3A_35 : memref<128xi32, #tpu.memory_space<vmem>>) semaphore(%run_scoped3A_33 : memref<!tpu.dma_semaphore, #tpu.memory_space<semaphore_mem>>) {add = true}
        %dma_wait3A = arith.constant 0 : i32
        %dma_wait3A_39 = tpu.memref_slice %arg6[%run_scoped3A_32, %dma_wait3A] : memref<2x128xi32, #tpu.memory_space<vmem>> -> memref<1x128xi32, #tpu.memory_space<vmem>>
        %dma_wait3A_40 = tpu.memref_squeeze %dma_wait3A_39 : memref<1x128xi32, #tpu.memory_space<vmem>> -> memref<128xi32, #tpu.memory_space<vmem>>
        %dma_wait3A_41 = arith.constant 0 : i32
        %dma_wait3A_42 = arith.constant 0 : i32
        %dma_wait3A_43 = tpu.memref_slice %arg8[%dma_wait3A_41, %dma_wait3A_42] : memref<10240x128xf32, #tpu.memory_space<vmem_shared>> -> memref<10240x128xf32, #tpu.memory_space<vmem_shared>>
        tpu.wait_indirect_dma semaphore(%run_scoped3A_33 : memref<!tpu.dma_semaphore, #tpu.memory_space<semaphore_mem>>) src(%arg7 : memref<128x128xf32, #tpu.memory_space<vmem>>) dst(%dma_wait3A_43 : memref<10240x128xf32, #tpu.memory_space<vmem_shared>>)
        tpu.yield
      }) : () -> ()
    }
    %while3A_21 = arith.constant 1 : i32
    scf.for %while3A_27 = %while3A_19 to %while3A_15 step %while3A_21  : i32 {
      %mul3A_28 = arith.constant 128 : i32
      %mul3A_29 = arith.muli %while3A_27, %mul3A_28 : i32
      %add3A_30 = arith.addi %mul3A_12, %mul3A_29 : i32
      %run_scoped3A = arith.constant 1 : i32
      %run_scoped3A_31 = arith.constant 1 : i32
      "tpu.region"() ({
        %run_scoped3A_33 = tpu.sem_alloc : memref<!tpu.dma_semaphore, #tpu.memory_space<semaphore_mem>>
        %dma_start3A = arith.constant 0 : i32
        %dma_start3A_34 = tpu.memref_slice %arg6[%run_scoped3A_31, %dma_start3A] : memref<2x128xi32, #tpu.memory_space<vmem>> -> memref<1x128xi32, #tpu.memory_space<vmem>>
        %dma_start3A_35 = tpu.memref_squeeze %dma_start3A_34 : memref<1x128xi32, #tpu.memory_space<vmem>> -> memref<128xi32, #tpu.memory_space<vmem>>
        %dma_start3A_36 = tpu.memref_slice %arg2[%run_scoped3A, %add3A_30] : memref<2x321536xi32, #tpu.memory_space<hbm>> -> memref<1x128xi32, #tpu.memory_space<hbm>>
        %dma_start3A_37 = tpu.memref_squeeze %dma_start3A_36 : memref<1x128xi32, #tpu.memory_space<hbm>> -> memref<128xi32, #tpu.memory_space<hbm>>
        %dma_start3A_38 = arith.constant 0 : i32
        %dma_start3A_39 = tpu.memref_slice %arg6[%run_scoped3A_31, %dma_start3A_38] : memref<2x128xi32, #tpu.memory_space<vmem>> -> memref<1x128xi32, #tpu.memory_space<vmem>>
        %dma_start3A_40 = tpu.memref_squeeze %dma_start3A_39 : memref<1x128xi32, #tpu.memory_space<vmem>> -> memref<128xi32, #tpu.memory_space<vmem>>
        %dma_start3A_41 = tpu.memref_slice %arg2[%run_scoped3A, %add3A_30] : memref<2x321536xi32, #tpu.memory_space<hbm>> -> memref<1x128xi32, #tpu.memory_space<hbm>>
        %dma_start3A_42 = tpu.memref_squeeze %dma_start3A_41 : memref<1x128xi32, #tpu.memory_space<hbm>> -> memref<128xi32, #tpu.memory_space<hbm>>
        tpu.enqueue_dma source(%dma_start3A_42 : memref<128xi32, #tpu.memory_space<hbm>>) target(%dma_start3A_40 : memref<128xi32, #tpu.memory_space<vmem>>) target_semaphore(%run_scoped3A_33 : memref<!tpu.dma_semaphore, #tpu.memory_space<semaphore_mem>>)
        %dma_wait3A = arith.constant 0 : i32
        %dma_wait3A_43 = tpu.memref_slice %arg6[%run_scoped3A_31, %dma_wait3A] : memref<2x128xi32, #tpu.memory_space<vmem>> -> memref<1x128xi32, #tpu.memory_space<vmem>>
        %dma_wait3A_44 = tpu.memref_squeeze %dma_wait3A_43 : memref<1x128xi32, #tpu.memory_space<vmem>> -> memref<128xi32, #tpu.memory_space<vmem>>
        %dma_wait3A_45 = tpu.memref_slice %arg2[%run_scoped3A, %add3A_30] : memref<2x321536xi32, #tpu.memory_space<hbm>> -> memref<1x128xi32, #tpu.memory_space<hbm>>
        %dma_wait3A_46 = tpu.memref_squeeze %dma_wait3A_45 : memref<1x128xi32, #tpu.memory_space<hbm>> -> memref<128xi32, #tpu.memory_space<hbm>>
        %dma_wait3A_47 = arith.constant 0 : i32
        %dma_wait3A_48 = tpu.memref_slice %arg6[%run_scoped3A_31, %dma_wait3A_47] : memref<2x128xi32, #tpu.memory_space<vmem>> -> memref<1x128xi32, #tpu.memory_space<vmem>>
        %dma_wait3A_49 = tpu.memref_squeeze %dma_wait3A_48 : memref<1x128xi32, #tpu.memory_space<vmem>> -> memref<128xi32, #tpu.memory_space<vmem>>
        %dma_wait3A_50 = tpu.memref_slice %arg2[%run_scoped3A, %add3A_30] : memref<2x321536xi32, #tpu.memory_space<hbm>> -> memref<1x128xi32, #tpu.memory_space<hbm>>
        %dma_wait3A_51 = tpu.memref_squeeze %dma_wait3A_50 : memref<1x128xi32, #tpu.memory_space<hbm>> -> memref<128xi32, #tpu.memory_space<hbm>>
        tpu.wait_dma2 semaphore(%run_scoped3A_33 : memref<!tpu.dma_semaphore, #tpu.memory_space<semaphore_mem>>) src(%dma_wait3A_51 : memref<128xi32, #tpu.memory_space<hbm>>) dst(%dma_wait3A_49 : memref<128xi32, #tpu.memory_space<vmem>>)
        tpu.yield
      }) : () -> ()
      %run_scoped3A_32 = arith.constant 1 : i32
      "tpu.region"() ({
        %run_scoped3A_33 = tpu.sem_alloc : memref<!tpu.dma_semaphore, #tpu.memory_space<semaphore_mem>>
        %dma_start3A = arith.constant 0 : i32
        %dma_start3A_34 = tpu.memref_slice %arg6[%run_scoped3A_32, %dma_start3A] : memref<2x128xi32, #tpu.memory_space<vmem>> -> memref<1x128xi32, #tpu.memory_space<vmem>>
        %dma_start3A_35 = tpu.memref_squeeze %dma_start3A_34 : memref<1x128xi32, #tpu.memory_space<vmem>> -> memref<128xi32, #tpu.memory_space<vmem>>
        %dma_start3A_36 = arith.constant 0 : i32
        %dma_start3A_37 = arith.constant 0 : i32
        %dma_start3A_38 = tpu.memref_slice %arg8[%dma_start3A_36, %dma_start3A_37] : memref<10240x128xf32, #tpu.memory_space<vmem_shared>> -> memref<10240x128xf32, #tpu.memory_space<vmem_shared>>
        tpu.enqueue_indirect_dma source(%arg7 : memref<128x128xf32, #tpu.memory_space<vmem>>) target(%dma_start3A_38 : memref<10240x128xf32, #tpu.memory_space<vmem_shared>>) offsets(%dma_start3A_35 : memref<128xi32, #tpu.memory_space<vmem>>) semaphore(%run_scoped3A_33 : memref<!tpu.dma_semaphore, #tpu.memory_space<semaphore_mem>>) {add = true}
        %dma_wait3A = arith.constant 0 : i32
        %dma_wait3A_39 = tpu.memref_slice %arg6[%run_scoped3A_32, %dma_wait3A] : memref<2x128xi32, #tpu.memory_space<vmem>> -> memref<1x128xi32, #tpu.memory_space<vmem>>
        %dma_wait3A_40 = tpu.memref_squeeze %dma_wait3A_39 : memref<1x128xi32, #tpu.memory_space<vmem>> -> memref<128xi32, #tpu.memory_space<vmem>>
        %dma_wait3A_41 = arith.constant 0 : i32
        %dma_wait3A_42 = arith.constant 0 : i32
        %dma_wait3A_43 = tpu.memref_slice %arg8[%dma_wait3A_41, %dma_wait3A_42] : memref<10240x128xf32, #tpu.memory_space<vmem_shared>> -> memref<10240x128xf32, #tpu.memory_space<vmem_shared>>
        tpu.wait_indirect_dma semaphore(%run_scoped3A_33 : memref<!tpu.dma_semaphore, #tpu.memory_space<semaphore_mem>>) src(%arg7 : memref<128x128xf32, #tpu.memory_space<vmem>>) dst(%dma_wait3A_43 : memref<10240x128xf32, #tpu.memory_space<vmem_shared>>)
        tpu.yield
      }) : () -> ()
    }
    %barrier3A_22 = arith.constant 0 : index
    tpu.barrier barrier_id(%barrier3A_22)
    %mul3A_23 = arith.constant 640 : i32
    %mul3A_24 = arith.muli %arg1, %mul3A_23 : i32
    %mul3A_25 = arith.constant 640 : i32
    %mul3A_26 = arith.muli %arg1, %mul3A_25 : i32
    "tpu.region"() ({
      %run_scoped3A = tpu.sem_alloc : memref<!tpu.dma_semaphore, #tpu.memory_space<semaphore_mem>>
      %dma_start3A = arith.constant 0 : i32
      %dma_start3A_27 = tpu.memref_slice %arg5[%arg0, %mul3A_26, %dma_start3A] : memref<2x10240x128xf32, #tpu.memory_space<hbm>> -> memref<1x640x128xf32, #tpu.memory_space<hbm>>
      %dma_start3A_28 = tpu.memref_squeeze %dma_start3A_27 : memref<1x640x128xf32, #tpu.memory_space<hbm>> -> memref<640x128xf32, #tpu.memory_space<hbm>>
      %dma_start3A_29 = arith.constant 0 : i32
      %dma_start3A_30 = tpu.memref_slice %arg8[%mul3A_24, %dma_start3A_29] : memref<10240x128xf32, #tpu.memory_space<vmem_shared>> -> memref<640x128xf32, #tpu.memory_space<vmem_shared>>
      tpu.enqueue_dma source(%dma_start3A_30 : memref<640x128xf32, #tpu.memory_space<vmem_shared>>) target(%dma_start3A_28 : memref<640x128xf32, #tpu.memory_space<hbm>>) target_semaphore(%run_scoped3A : memref<!tpu.dma_semaphore, #tpu.memory_space<semaphore_mem>>)
      %dma_wait3A = arith.constant 0 : i32
      %dma_wait3A_31 = tpu.memref_slice %arg5[%arg0, %mul3A_26, %dma_wait3A] : memref<2x10240x128xf32, #tpu.memory_space<hbm>> -> memref<1x640x128xf32, #tpu.memory_space<hbm>>
      %dma_wait3A_32 = tpu.memref_squeeze %dma_wait3A_31 : memref<1x640x128xf32, #tpu.memory_space<hbm>> -> memref<640x128xf32, #tpu.memory_space<hbm>>
      %dma_wait3A_33 = arith.constant 0 : i32
      %dma_wait3A_34 = tpu.memref_slice %arg8[%mul3A_24, %dma_wait3A_33] : memref<10240x128xf32, #tpu.memory_space<vmem_shared>> -> memref<640x128xf32, #tpu.memory_space<vmem_shared>>
      tpu.wait_dma2 semaphore(%run_scoped3A : memref<!tpu.dma_semaphore, #tpu.memory_space<semaphore_mem>>) src(%dma_wait3A_34 : memref<640x128xf32, #tpu.memory_space<vmem_shared>>) dst(%dma_wait3A_32 : memref<640x128xf32, #tpu.memory_space<hbm>>)
      tpu.yield
    }) : () -> ()
    return
  }
}

#map = affine_map<(d0, d1) -> (0, 0)>
#map1 = affine_map<(d0, d1) -> (0, 0, 0)>
module attributes {stable_mosaic.version = 14 : i64} {
  func.func @k(%arg0: i32, %arg1: i32, %arg2: memref<10000x128xf32, #tpu.memory_space<hbm>>, %arg3: memref<2x321536xi32, #tpu.memory_space<hbm>>, %arg4: memref<640x128xf32, #tpu.memory_space<hbm>>, %arg5: memref<2x10240x128xf32, #tpu.memory_space<hbm>>, %arg6: memref<2x128xi32, #tpu.memory_space<vmem>>, %arg7: memref<128x128xf32, #tpu.memory_space<vmem>>, %arg8: memref<!tpu.dma_semaphore, #tpu.memory_space<semaphore_mem>>, %arg9: memref<10240x128xf32, #tpu.memory_space<vmem_shared>>) attributes {dimension_semantics = [#tpu.dimension_semantics<core_parallel>, #tpu.dimension_semantics<subcore_parallel>], iteration_bounds = array<i64: 2, 16>, scalar_prefetch = 0 : i64, scratch_operands = 4 : i64, tpu.core_type = #tpu.core_type<sc_vector_subcore>, window_params = [{transform_indices = #map}, {transform_indices = #map}, {transform_indices = #map}, {transform_indices = #map1}]} {
    %mul3A = arith.constant 640 : i32
    %mul3A_0 = arith.muli %arg1, %mul3A : i32
    "tpu.region"() ({
      %run_scoped3A = tpu.sem_alloc : memref<!tpu.dma_semaphore, #tpu.memory_space<semaphore_mem>>
      %dma_start3A = arith.constant 0 : i32
      %dma_start3A_27 = tpu.memref_slice %arg9[%mul3A_0, %dma_start3A] : memref<10240x128xf32, #tpu.memory_space<vmem_shared>> -> memref<640x128xf32, #tpu.memory_space<vmem_shared>>
      tpu.enqueue_dma source(%arg4 : memref<640x128xf32, #tpu.memory_space<hbm>>) target(%dma_start3A_27 : memref<640x128xf32, #tpu.memory_space<vmem_shared>>) target_semaphore(%run_scoped3A : memref<!tpu.dma_semaphore, #tpu.memory_space<semaphore_mem>>)
      %dma_wait3A = arith.constant 0 : i32
      %dma_wait3A_28 = tpu.memref_slice %arg9[%mul3A_0, %dma_wait3A] : memref<10240x128xf32, #tpu.memory_space<vmem_shared>> -> memref<640x128xf32, #tpu.memory_space<vmem_shared>>
      tpu.wait_dma2 semaphore(%run_scoped3A : memref<!tpu.dma_semaphore, #tpu.memory_space<semaphore_mem>>) src(%arg4 : memref<640x128xf32, #tpu.memory_space<hbm>>) dst(%dma_wait3A_28 : memref<640x128xf32, #tpu.memory_space<vmem_shared>>)
      tpu.yield
    }) : () -> ()
    %barrier3A = arith.constant 0 : index
    tpu.barrier barrier_id(%barrier3A)
    %eq3A = arith.constant 0 : i32
    %eq3A_1 = arith.cmpi eq, %arg0, %eq3A : i32
    %jit3A = arith.constant 61 : i32
    %jit3A_2 = arith.constant 96 : i32
    %select_n3A = arith.select %eq3A_1, %jit3A, %jit3A_2 : i32
    %eq3A_3 = arith.constant 0 : i32
    %eq3A_4 = arith.cmpi eq, %arg0, %eq3A_3 : i32
    %mul3A_5 = arith.constant 61 : i32
    %mul3A_6 = arith.muli %arg1, %mul3A_5 : i32
    %mul3A_7 = arith.constant 96 : i32
    %mul3A_8 = arith.muli %arg1, %mul3A_7 : i32
    %add3A = arith.constant 976 : i32
    %add3A_9 = arith.addi %add3A, %mul3A_8 : i32
    %select_n3A_10 = arith.select %eq3A_4, %mul3A_6, %add3A_9 : i32
    %mul3A_11 = arith.constant 128 : i32
    %mul3A_12 = arith.muli %select_n3A_10, %mul3A_11 : i32
    %while3A = arith.constant 0 : i32
    %while3A_13 = arith.constant 0 : i32
    %while3A_14 = arith.subi %select_n3A, %while3A_13 : i32
    %while3A_15 = arith.addi %while3A_13, %while3A_14 : i32
    %while3A_16 = arith.constant 1 : i32
    %while3A_17 = arith.divsi %while3A_14, %while3A_16 : i32
    %while3A_18 = arith.muli %while3A_17, %while3A_16 : i32
    %while3A_19 = arith.addi %while3A_13, %while3A_18 : i32
    %while3A_20 = arith.constant 1 : i32
    scf.for %while3A_27 = %while3A_13 to %while3A_19 step %while3A_20  : i32 {
      %mul3A_28 = arith.constant 128 : i32
      %mul3A_29 = arith.muli %while3A_27, %mul3A_28 : i32
      %add3A_30 = arith.addi %mul3A_12, %mul3A_29 : i32
      %run_scoped3A = arith.constant 0 : i32
      %run_scoped3A_31 = arith.constant 0 : i32
      "tpu.region"() ({
        %run_scoped3A_47 = tpu.sem_alloc : memref<!tpu.dma_semaphore, #tpu.memory_space<semaphore_mem>>
        %dma_start3A_48 = arith.constant 0 : i32
        %dma_start3A_49 = tpu.memref_slice %arg6[%run_scoped3A_31, %dma_start3A_48] : memref<2x128xi32, #tpu.memory_space<vmem>> -> memref<1x128xi32, #tpu.memory_space<vmem>>
        %dma_start3A_50 = tpu.memref_squeeze %dma_start3A_49 : memref<1x128xi32, #tpu.memory_space<vmem>> -> memref<128xi32, #tpu.memory_space<vmem>>
        %dma_start3A_51 = tpu.memref_slice %arg3[%run_scoped3A, %add3A_30] : memref<2x321536xi32, #tpu.memory_space<hbm>> -> memref<1x128xi32, #tpu.memory_space<hbm>>
        %dma_start3A_52 = tpu.memref_squeeze %dma_start3A_51 : memref<1x128xi32, #tpu.memory_space<hbm>> -> memref<128xi32, #tpu.memory_space<hbm>>
        %dma_start3A_53 = arith.constant 0 : i32
        %dma_start3A_54 = tpu.memref_slice %arg6[%run_scoped3A_31, %dma_start3A_53] : memref<2x128xi32, #tpu.memory_space<vmem>> -> memref<1x128xi32, #tpu.memory_space<vmem>>
        %dma_start3A_55 = tpu.memref_squeeze %dma_start3A_54 : memref<1x128xi32, #tpu.memory_space<vmem>> -> memref<128xi32, #tpu.memory_space<vmem>>
        %dma_start3A_56 = tpu.memref_slice %arg3[%run_scoped3A, %add3A_30] : memref<2x321536xi32, #tpu.memory_space<hbm>> -> memref<1x128xi32, #tpu.memory_space<hbm>>
        %dma_start3A_57 = tpu.memref_squeeze %dma_start3A_56 : memref<1x128xi32, #tpu.memory_space<hbm>> -> memref<128xi32, #tpu.memory_space<hbm>>
        tpu.enqueue_dma source(%dma_start3A_57 : memref<128xi32, #tpu.memory_space<hbm>>) target(%dma_start3A_55 : memref<128xi32, #tpu.memory_space<vmem>>) target_semaphore(%run_scoped3A_47 : memref<!tpu.dma_semaphore, #tpu.memory_space<semaphore_mem>>)
        %dma_wait3A_58 = arith.constant 0 : i32
        %dma_wait3A_59 = tpu.memref_slice %arg6[%run_scoped3A_31, %dma_wait3A_58] : memref<2x128xi32, #tpu.memory_space<vmem>> -> memref<1x128xi32, #tpu.memory_space<vmem>>
        %dma_wait3A_60 = tpu.memref_squeeze %dma_wait3A_59 : memref<1x128xi32, #tpu.memory_space<vmem>> -> memref<128xi32, #tpu.memory_space<vmem>>
        %dma_wait3A_61 = tpu.memref_slice %arg3[%run_scoped3A, %add3A_30] : memref<2x321536xi32, #tpu.memory_space<hbm>> -> memref<1x128xi32, #tpu.memory_space<hbm>>
        %dma_wait3A_62 = tpu.memref_squeeze %dma_wait3A_61 : memref<1x128xi32, #tpu.memory_space<hbm>> -> memref<128xi32, #tpu.memory_space<hbm>>
        %dma_wait3A_63 = arith.constant 0 : i32
        %dma_wait3A_64 = tpu.memref_slice %arg6[%run_scoped3A_31, %dma_wait3A_63] : memref<2x128xi32, #tpu.memory_space<vmem>> -> memref<1x128xi32, #tpu.memory_space<vmem>>
        %dma_wait3A_65 = tpu.memref_squeeze %dma_wait3A_64 : memref<1x128xi32, #tpu.memory_space<vmem>> -> memref<128xi32, #tpu.memory_space<vmem>>
        %dma_wait3A_66 = tpu.memref_slice %arg3[%run_scoped3A, %add3A_30] : memref<2x321536xi32, #tpu.memory_space<hbm>> -> memref<1x128xi32, #tpu.memory_space<hbm>>
        %dma_wait3A_67 = tpu.memref_squeeze %dma_wait3A_66 : memref<1x128xi32, #tpu.memory_space<hbm>> -> memref<128xi32, #tpu.memory_space<hbm>>
        tpu.wait_dma2 semaphore(%run_scoped3A_47 : memref<!tpu.dma_semaphore, #tpu.memory_space<semaphore_mem>>) src(%dma_wait3A_67 : memref<128xi32, #tpu.memory_space<hbm>>) dst(%dma_wait3A_65 : memref<128xi32, #tpu.memory_space<vmem>>)
        tpu.yield
      }) : () -> ()
      %run_scoped3A_32 = arith.constant 1 : i32
      %run_scoped3A_33 = arith.constant 1 : i32
      "tpu.region"() ({
        %run_scoped3A_47 = tpu.sem_alloc : memref<!tpu.dma_semaphore, #tpu.memory_space<semaphore_mem>>
        %dma_start3A_48 = arith.constant 0 : i32
        %dma_start3A_49 = tpu.memref_slice %arg6[%run_scoped3A_33, %dma_start3A_48] : memref<2x128xi32, #tpu.memory_space<vmem>> -> memref<1x128xi32, #tpu.memory_space<vmem>>
        %dma_start3A_50 = tpu.memref_squeeze %dma_start3A_49 : memref<1x128xi32, #tpu.memory_space<vmem>> -> memref<128xi32, #tpu.memory_space<vmem>>
        %dma_start3A_51 = tpu.memref_slice %arg3[%run_scoped3A_32, %add3A_30] : memref<2x321536xi32, #tpu.memory_space<hbm>> -> memref<1x128xi32, #tpu.memory_space<hbm>>
        %dma_start3A_52 = tpu.memref_squeeze %dma_start3A_51 : memref<1x128xi32, #tpu.memory_space<hbm>> -> memref<128xi32, #tpu.memory_space<hbm>>
        %dma_start3A_53 = arith.constant 0 : i32
        %dma_start3A_54 = tpu.memref_slice %arg6[%run_scoped3A_33, %dma_start3A_53] : memref<2x128xi32, #tpu.memory_space<vmem>> -> memref<1x128xi32, #tpu.memory_space<vmem>>
        %dma_start3A_55 = tpu.memref_squeeze %dma_start3A_54 : memref<1x128xi32, #tpu.memory_space<vmem>> -> memref<128xi32, #tpu.memory_space<vmem>>
        %dma_start3A_56 = tpu.memref_slice %arg3[%run_scoped3A_32, %add3A_30] : memref<2x321536xi32, #tpu.memory_space<hbm>> -> memref<1x128xi32, #tpu.memory_space<hbm>>
        %dma_start3A_57 = tpu.memref_squeeze %dma_start3A_56 : memref<1x128xi32, #tpu.memory_space<hbm>> -> memref<128xi32, #tpu.memory_space<hbm>>
        tpu.enqueue_dma source(%dma_start3A_57 : memref<128xi32, #tpu.memory_space<hbm>>) target(%dma_start3A_55 : memref<128xi32, #tpu.memory_space<vmem>>) target_semaphore(%run_scoped3A_47 : memref<!tpu.dma_semaphore, #tpu.memory_space<semaphore_mem>>)
        %dma_wait3A_58 = arith.constant 0 : i32
        %dma_wait3A_59 = tpu.memref_slice %arg6[%run_scoped3A_33, %dma_wait3A_58] : memref<2x128xi32, #tpu.memory_space<vmem>> -> memref<1x128xi32, #tpu.memory_space<vmem>>
        %dma_wait3A_60 = tpu.memref_squeeze %dma_wait3A_59 : memref<1x128xi32, #tpu.memory_space<vmem>> -> memref<128xi32, #tpu.memory_space<vmem>>
        %dma_wait3A_61 = tpu.memref_slice %arg3[%run_scoped3A_32, %add3A_30] : memref<2x321536xi32, #tpu.memory_space<hbm>> -> memref<1x128xi32, #tpu.memory_space<hbm>>
        %dma_wait3A_62 = tpu.memref_squeeze %dma_wait3A_61 : memref<1x128xi32, #tpu.memory_space<hbm>> -> memref<128xi32, #tpu.memory_space<hbm>>
        %dma_wait3A_63 = arith.constant 0 : i32
        %dma_wait3A_64 = tpu.memref_slice %arg6[%run_scoped3A_33, %dma_wait3A_63] : memref<2x128xi32, #tpu.memory_space<vmem>> -> memref<1x128xi32, #tpu.memory_space<vmem>>
        %dma_wait3A_65 = tpu.memref_squeeze %dma_wait3A_64 : memref<1x128xi32, #tpu.memory_space<vmem>> -> memref<128xi32, #tpu.memory_space<vmem>>
        %dma_wait3A_66 = tpu.memref_slice %arg3[%run_scoped3A_32, %add3A_30] : memref<2x321536xi32, #tpu.memory_space<hbm>> -> memref<1x128xi32, #tpu.memory_space<hbm>>
        %dma_wait3A_67 = tpu.memref_squeeze %dma_wait3A_66 : memref<1x128xi32, #tpu.memory_space<hbm>> -> memref<128xi32, #tpu.memory_space<hbm>>
        tpu.wait_dma2 semaphore(%run_scoped3A_47 : memref<!tpu.dma_semaphore, #tpu.memory_space<semaphore_mem>>) src(%dma_wait3A_67 : memref<128xi32, #tpu.memory_space<hbm>>) dst(%dma_wait3A_65 : memref<128xi32, #tpu.memory_space<vmem>>)
        tpu.yield
      }) : () -> ()
      %dma_start3A = arith.constant 0 : i32
      %dma_start3A_34 = arith.constant 0 : i32
      %dma_start3A_35 = tpu.memref_slice %arg6[%dma_start3A, %dma_start3A_34] : memref<2x128xi32, #tpu.memory_space<vmem>> -> memref<1x128xi32, #tpu.memory_space<vmem>>
      %dma_start3A_36 = tpu.memref_squeeze %dma_start3A_35 : memref<1x128xi32, #tpu.memory_space<vmem>> -> memref<128xi32, #tpu.memory_space<vmem>>
      %dma_start3A_37 = arith.constant 0 : i32
      %dma_start3A_38 = arith.constant 0 : i32
      %dma_start3A_39 = tpu.memref_slice %arg2[%dma_start3A_37, %dma_start3A_38] : memref<10000x128xf32, #tpu.memory_space<hbm>> -> memref<10000x128xf32, #tpu.memory_space<hbm>>
      tpu.enqueue_indirect_dma source(%dma_start3A_39 : memref<10000x128xf32, #tpu.memory_space<hbm>>) target(%arg7 : memref<128x128xf32, #tpu.memory_space<vmem>>) offsets(%dma_start3A_36 : memref<128xi32, #tpu.memory_space<vmem>>) semaphore(%arg8 : memref<!tpu.dma_semaphore, #tpu.memory_space<semaphore_mem>>)
      %dma_wait3A = arith.constant 0 : i32
      %dma_wait3A_40 = arith.constant 0 : i32
      %dma_wait3A_41 = tpu.memref_slice %arg6[%dma_wait3A, %dma_wait3A_40] : memref<2x128xi32, #tpu.memory_space<vmem>> -> memref<1x128xi32, #tpu.memory_space<vmem>>
      %dma_wait3A_42 = tpu.memref_squeeze %dma_wait3A_41 : memref<1x128xi32, #tpu.memory_space<vmem>> -> memref<128xi32, #tpu.memory_space<vmem>>
      %dma_wait3A_43 = arith.constant 0 : i32
      %dma_wait3A_44 = arith.constant 0 : i32
      %dma_wait3A_45 = tpu.memref_slice %arg2[%dma_wait3A_43, %dma_wait3A_44] : memref<10000x128xf32, #tpu.memory_space<hbm>> -> memref<10000x128xf32, #tpu.memory_space<hbm>>
      tpu.wait_indirect_dma semaphore(%arg8 : memref<!tpu.dma_semaphore, #tpu.memory_space<semaphore_mem>>) src(%dma_wait3A_45 : memref<10000x128xf32, #tpu.memory_space<hbm>>) dst(%arg7 : memref<128x128xf32, #tpu.memory_space<vmem>>)
      %run_scoped3A_46 = arith.constant 1 : i32
      "tpu.region"() ({
        %run_scoped3A_47 = tpu.sem_alloc : memref<!tpu.dma_semaphore, #tpu.memory_space<semaphore_mem>>
        %dma_start3A_48 = arith.constant 0 : i32
        %dma_start3A_49 = tpu.memref_slice %arg6[%run_scoped3A_46, %dma_start3A_48] : memref<2x128xi32, #tpu.memory_space<vmem>> -> memref<1x128xi32, #tpu.memory_space<vmem>>
        %dma_start3A_50 = tpu.memref_squeeze %dma_start3A_49 : memref<1x128xi32, #tpu.memory_space<vmem>> -> memref<128xi32, #tpu.memory_space<vmem>>
        %dma_start3A_51 = arith.constant 0 : i32
        %dma_start3A_52 = arith.constant 0 : i32
        %dma_start3A_53 = tpu.memref_slice %arg9[%dma_start3A_51, %dma_start3A_52] : memref<10240x128xf32, #tpu.memory_space<vmem_shared>> -> memref<10240x128xf32, #tpu.memory_space<vmem_shared>>
        tpu.enqueue_indirect_dma source(%arg7 : memref<128x128xf32, #tpu.memory_space<vmem>>) target(%dma_start3A_53 : memref<10240x128xf32, #tpu.memory_space<vmem_shared>>) offsets(%dma_start3A_50 : memref<128xi32, #tpu.memory_space<vmem>>) semaphore(%run_scoped3A_47 : memref<!tpu.dma_semaphore, #tpu.memory_space<semaphore_mem>>) {add = true}
        %dma_wait3A_54 = arith.constant 0 : i32
        %dma_wait3A_55 = tpu.memref_slice %arg6[%run_scoped3A_46, %dma_wait3A_54] : memref<2x128xi32, #tpu.memory_space<vmem>> -> memref<1x128xi32, #tpu.memory_space<vmem>>
        %dma_wait3A_56 = tpu.memref_squeeze %dma_wait3A_55 : memref<1x128xi32, #tpu.memory_space<vmem>> -> memref<128xi32, #tpu.memory_space<vmem>>
        %dma_wait3A_57 = arith.constant 0 : i32
        %dma_wait3A_58 = arith.constant 0 : i32
        %dma_wait3A_59 = tpu.memref_slice %arg9[%dma_wait3A_57, %dma_wait3A_58] : memref<10240x128xf32, #tpu.memory_space<vmem_shared>> -> memref<10240x128xf32, #tpu.memory_space<vmem_shared>>
        tpu.wait_indirect_dma semaphore(%run_scoped3A_47 : memref<!tpu.dma_semaphore, #tpu.memory_space<semaphore_mem>>) src(%arg7 : memref<128x128xf32, #tpu.memory_space<vmem>>) dst(%dma_wait3A_59 : memref<10240x128xf32, #tpu.memory_space<vmem_shared>>)
        tpu.yield
      }) : () -> ()
    }
    %while3A_21 = arith.constant 1 : i32
    scf.for %while3A_27 = %while3A_19 to %while3A_15 step %while3A_21  : i32 {
      %mul3A_28 = arith.constant 128 : i32
      %mul3A_29 = arith.muli %while3A_27, %mul3A_28 : i32
      %add3A_30 = arith.addi %mul3A_12, %mul3A_29 : i32
      %run_scoped3A = arith.constant 0 : i32
      %run_scoped3A_31 = arith.constant 0 : i32
      "tpu.region"() ({
        %run_scoped3A_47 = tpu.sem_alloc : memref<!tpu.dma_semaphore, #tpu.memory_space<semaphore_mem>>
        %dma_start3A_48 = arith.constant 0 : i32
        %dma_start3A_49 = tpu.memref_slice %arg6[%run_scoped3A_31, %dma_start3A_48] : memref<2x128xi32, #tpu.memory_space<vmem>> -> memref<1x128xi32, #tpu.memory_space<vmem>>
        %dma_start3A_50 = tpu.memref_squeeze %dma_start3A_49 : memref<1x128xi32, #tpu.memory_space<vmem>> -> memref<128xi32, #tpu.memory_space<vmem>>
        %dma_start3A_51 = tpu.memref_slice %arg3[%run_scoped3A, %add3A_30] : memref<2x321536xi32, #tpu.memory_space<hbm>> -> memref<1x128xi32, #tpu.memory_space<hbm>>
        %dma_start3A_52 = tpu.memref_squeeze %dma_start3A_51 : memref<1x128xi32, #tpu.memory_space<hbm>> -> memref<128xi32, #tpu.memory_space<hbm>>
        %dma_start3A_53 = arith.constant 0 : i32
        %dma_start3A_54 = tpu.memref_slice %arg6[%run_scoped3A_31, %dma_start3A_53] : memref<2x128xi32, #tpu.memory_space<vmem>> -> memref<1x128xi32, #tpu.memory_space<vmem>>
        %dma_start3A_55 = tpu.memref_squeeze %dma_start3A_54 : memref<1x128xi32, #tpu.memory_space<vmem>> -> memref<128xi32, #tpu.memory_space<vmem>>
        %dma_start3A_56 = tpu.memref_slice %arg3[%run_scoped3A, %add3A_30] : memref<2x321536xi32, #tpu.memory_space<hbm>> -> memref<1x128xi32, #tpu.memory_space<hbm>>
        %dma_start3A_57 = tpu.memref_squeeze %dma_start3A_56 : memref<1x128xi32, #tpu.memory_space<hbm>> -> memref<128xi32, #tpu.memory_space<hbm>>
        tpu.enqueue_dma source(%dma_start3A_57 : memref<128xi32, #tpu.memory_space<hbm>>) target(%dma_start3A_55 : memref<128xi32, #tpu.memory_space<vmem>>) target_semaphore(%run_scoped3A_47 : memref<!tpu.dma_semaphore, #tpu.memory_space<semaphore_mem>>)
        %dma_wait3A_58 = arith.constant 0 : i32
        %dma_wait3A_59 = tpu.memref_slice %arg6[%run_scoped3A_31, %dma_wait3A_58] : memref<2x128xi32, #tpu.memory_space<vmem>> -> memref<1x128xi32, #tpu.memory_space<vmem>>
        %dma_wait3A_60 = tpu.memref_squeeze %dma_wait3A_59 : memref<1x128xi32, #tpu.memory_space<vmem>> -> memref<128xi32, #tpu.memory_space<vmem>>
        %dma_wait3A_61 = tpu.memref_slice %arg3[%run_scoped3A, %add3A_30] : memref<2x321536xi32, #tpu.memory_space<hbm>> -> memref<1x128xi32, #tpu.memory_space<hbm>>
        %dma_wait3A_62 = tpu.memref_squeeze %dma_wait3A_61 : memref<1x128xi32, #tpu.memory_space<hbm>> -> memref<128xi32, #tpu.memory_space<hbm>>
        %dma_wait3A_63 = arith.constant 0 : i32
        %dma_wait3A_64 = tpu.memref_slice %arg6[%run_scoped3A_31, %dma_wait3A_63] : memref<2x128xi32, #tpu.memory_space<vmem>> -> memref<1x128xi32, #tpu.memory_space<vmem>>
        %dma_wait3A_65 = tpu.memref_squeeze %dma_wait3A_64 : memref<1x128xi32, #tpu.memory_space<vmem>> -> memref<128xi32, #tpu.memory_space<vmem>>
        %dma_wait3A_66 = tpu.memref_slice %arg3[%run_scoped3A, %add3A_30] : memref<2x321536xi32, #tpu.memory_space<hbm>> -> memref<1x128xi32, #tpu.memory_space<hbm>>
        %dma_wait3A_67 = tpu.memref_squeeze %dma_wait3A_66 : memref<1x128xi32, #tpu.memory_space<hbm>> -> memref<128xi32, #tpu.memory_space<hbm>>
        tpu.wait_dma2 semaphore(%run_scoped3A_47 : memref<!tpu.dma_semaphore, #tpu.memory_space<semaphore_mem>>) src(%dma_wait3A_67 : memref<128xi32, #tpu.memory_space<hbm>>) dst(%dma_wait3A_65 : memref<128xi32, #tpu.memory_space<vmem>>)
        tpu.yield
      }) : () -> ()
      %run_scoped3A_32 = arith.constant 1 : i32
      %run_scoped3A_33 = arith.constant 1 : i32
      "tpu.region"() ({
        %run_scoped3A_47 = tpu.sem_alloc : memref<!tpu.dma_semaphore, #tpu.memory_space<semaphore_mem>>
        %dma_start3A_48 = arith.constant 0 : i32
        %dma_start3A_49 = tpu.memref_slice %arg6[%run_scoped3A_33, %dma_start3A_48] : memref<2x128xi32, #tpu.memory_space<vmem>> -> memref<1x128xi32, #tpu.memory_space<vmem>>
        %dma_start3A_50 = tpu.memref_squeeze %dma_start3A_49 : memref<1x128xi32, #tpu.memory_space<vmem>> -> memref<128xi32, #tpu.memory_space<vmem>>
        %dma_start3A_51 = tpu.memref_slice %arg3[%run_scoped3A_32, %add3A_30] : memref<2x321536xi32, #tpu.memory_space<hbm>> -> memref<1x128xi32, #tpu.memory_space<hbm>>
        %dma_start3A_52 = tpu.memref_squeeze %dma_start3A_51 : memref<1x128xi32, #tpu.memory_space<hbm>> -> memref<128xi32, #tpu.memory_space<hbm>>
        %dma_start3A_53 = arith.constant 0 : i32
        %dma_start3A_54 = tpu.memref_slice %arg6[%run_scoped3A_33, %dma_start3A_53] : memref<2x128xi32, #tpu.memory_space<vmem>> -> memref<1x128xi32, #tpu.memory_space<vmem>>
        %dma_start3A_55 = tpu.memref_squeeze %dma_start3A_54 : memref<1x128xi32, #tpu.memory_space<vmem>> -> memref<128xi32, #tpu.memory_space<vmem>>
        %dma_start3A_56 = tpu.memref_slice %arg3[%run_scoped3A_32, %add3A_30] : memref<2x321536xi32, #tpu.memory_space<hbm>> -> memref<1x128xi32, #tpu.memory_space<hbm>>
        %dma_start3A_57 = tpu.memref_squeeze %dma_start3A_56 : memref<1x128xi32, #tpu.memory_space<hbm>> -> memref<128xi32, #tpu.memory_space<hbm>>
        tpu.enqueue_dma source(%dma_start3A_57 : memref<128xi32, #tpu.memory_space<hbm>>) target(%dma_start3A_55 : memref<128xi32, #tpu.memory_space<vmem>>) target_semaphore(%run_scoped3A_47 : memref<!tpu.dma_semaphore, #tpu.memory_space<semaphore_mem>>)
        %dma_wait3A_58 = arith.constant 0 : i32
        %dma_wait3A_59 = tpu.memref_slice %arg6[%run_scoped3A_33, %dma_wait3A_58] : memref<2x128xi32, #tpu.memory_space<vmem>> -> memref<1x128xi32, #tpu.memory_space<vmem>>
        %dma_wait3A_60 = tpu.memref_squeeze %dma_wait3A_59 : memref<1x128xi32, #tpu.memory_space<vmem>> -> memref<128xi32, #tpu.memory_space<vmem>>
        %dma_wait3A_61 = tpu.memref_slice %arg3[%run_scoped3A_32, %add3A_30] : memref<2x321536xi32, #tpu.memory_space<hbm>> -> memref<1x128xi32, #tpu.memory_space<hbm>>
        %dma_wait3A_62 = tpu.memref_squeeze %dma_wait3A_61 : memref<1x128xi32, #tpu.memory_space<hbm>> -> memref<128xi32, #tpu.memory_space<hbm>>
        %dma_wait3A_63 = arith.constant 0 : i32
        %dma_wait3A_64 = tpu.memref_slice %arg6[%run_scoped3A_33, %dma_wait3A_63] : memref<2x128xi32, #tpu.memory_space<vmem>> -> memref<1x128xi32, #tpu.memory_space<vmem>>
        %dma_wait3A_65 = tpu.memref_squeeze %dma_wait3A_64 : memref<1x128xi32, #tpu.memory_space<vmem>> -> memref<128xi32, #tpu.memory_space<vmem>>
        %dma_wait3A_66 = tpu.memref_slice %arg3[%run_scoped3A_32, %add3A_30] : memref<2x321536xi32, #tpu.memory_space<hbm>> -> memref<1x128xi32, #tpu.memory_space<hbm>>
        %dma_wait3A_67 = tpu.memref_squeeze %dma_wait3A_66 : memref<1x128xi32, #tpu.memory_space<hbm>> -> memref<128xi32, #tpu.memory_space<hbm>>
        tpu.wait_dma2 semaphore(%run_scoped3A_47 : memref<!tpu.dma_semaphore, #tpu.memory_space<semaphore_mem>>) src(%dma_wait3A_67 : memref<128xi32, #tpu.memory_space<hbm>>) dst(%dma_wait3A_65 : memref<128xi32, #tpu.memory_space<vmem>>)
        tpu.yield
      }) : () -> ()
      %dma_start3A = arith.constant 0 : i32
      %dma_start3A_34 = arith.constant 0 : i32
      %dma_start3A_35 = tpu.memref_slice %arg6[%dma_start3A, %dma_start3A_34] : memref<2x128xi32, #tpu.memory_space<vmem>> -> memref<1x128xi32, #tpu.memory_space<vmem>>
      %dma_start3A_36 = tpu.memref_squeeze %dma_start3A_35 : memref<1x128xi32, #tpu.memory_space<vmem>> -> memref<128xi32, #tpu.memory_space<vmem>>
      %dma_start3A_37 = arith.constant 0 : i32
      %dma_start3A_38 = arith.constant 0 : i32
      %dma_start3A_39 = tpu.memref_slice %arg2[%dma_start3A_37, %dma_start3A_38] : memref<10000x128xf32, #tpu.memory_space<hbm>> -> memref<10000x128xf32, #tpu.memory_space<hbm>>
      tpu.enqueue_indirect_dma source(%dma_start3A_39 : memref<10000x128xf32, #tpu.memory_space<hbm>>) target(%arg7 : memref<128x128xf32, #tpu.memory_space<vmem>>) offsets(%dma_start3A_36 : memref<128xi32, #tpu.memory_space<vmem>>) semaphore(%arg8 : memref<!tpu.dma_semaphore, #tpu.memory_space<semaphore_mem>>)
      %dma_wait3A = arith.constant 0 : i32
      %dma_wait3A_40 = arith.constant 0 : i32
      %dma_wait3A_41 = tpu.memref_slice %arg6[%dma_wait3A, %dma_wait3A_40] : memref<2x128xi32, #tpu.memory_space<vmem>> -> memref<1x128xi32, #tpu.memory_space<vmem>>
      %dma_wait3A_42 = tpu.memref_squeeze %dma_wait3A_41 : memref<1x128xi32, #tpu.memory_space<vmem>> -> memref<128xi32, #tpu.memory_space<vmem>>
      %dma_wait3A_43 = arith.constant 0 : i32
      %dma_wait3A_44 = arith.constant 0 : i32
      %dma_wait3A_45 = tpu.memref_slice %arg2[%dma_wait3A_43, %dma_wait3A_44] : memref<10000x128xf32, #tpu.memory_space<hbm>> -> memref<10000x128xf32, #tpu.memory_space<hbm>>
      tpu.wait_indirect_dma semaphore(%arg8 : memref<!tpu.dma_semaphore, #tpu.memory_space<semaphore_mem>>) src(%dma_wait3A_45 : memref<10000x128xf32, #tpu.memory_space<hbm>>) dst(%arg7 : memref<128x128xf32, #tpu.memory_space<vmem>>)
      %run_scoped3A_46 = arith.constant 1 : i32
      "tpu.region"() ({
        %run_scoped3A_47 = tpu.sem_alloc : memref<!tpu.dma_semaphore, #tpu.memory_space<semaphore_mem>>
        %dma_start3A_48 = arith.constant 0 : i32
        %dma_start3A_49 = tpu.memref_slice %arg6[%run_scoped3A_46, %dma_start3A_48] : memref<2x128xi32, #tpu.memory_space<vmem>> -> memref<1x128xi32, #tpu.memory_space<vmem>>
        %dma_start3A_50 = tpu.memref_squeeze %dma_start3A_49 : memref<1x128xi32, #tpu.memory_space<vmem>> -> memref<128xi32, #tpu.memory_space<vmem>>
        %dma_start3A_51 = arith.constant 0 : i32
        %dma_start3A_52 = arith.constant 0 : i32
        %dma_start3A_53 = tpu.memref_slice %arg9[%dma_start3A_51, %dma_start3A_52] : memref<10240x128xf32, #tpu.memory_space<vmem_shared>> -> memref<10240x128xf32, #tpu.memory_space<vmem_shared>>
        tpu.enqueue_indirect_dma source(%arg7 : memref<128x128xf32, #tpu.memory_space<vmem>>) target(%dma_start3A_53 : memref<10240x128xf32, #tpu.memory_space<vmem_shared>>) offsets(%dma_start3A_50 : memref<128xi32, #tpu.memory_space<vmem>>) semaphore(%run_scoped3A_47 : memref<!tpu.dma_semaphore, #tpu.memory_space<semaphore_mem>>) {add = true}
        %dma_wait3A_54 = arith.constant 0 : i32
        %dma_wait3A_55 = tpu.memref_slice %arg6[%run_scoped3A_46, %dma_wait3A_54] : memref<2x128xi32, #tpu.memory_space<vmem>> -> memref<1x128xi32, #tpu.memory_space<vmem>>
        %dma_wait3A_56 = tpu.memref_squeeze %dma_wait3A_55 : memref<1x128xi32, #tpu.memory_space<vmem>> -> memref<128xi32, #tpu.memory_space<vmem>>
        %dma_wait3A_57 = arith.constant 0 : i32
        %dma_wait3A_58 = arith.constant 0 : i32
        %dma_wait3A_59 = tpu.memref_slice %arg9[%dma_wait3A_57, %dma_wait3A_58] : memref<10240x128xf32, #tpu.memory_space<vmem_shared>> -> memref<10240x128xf32, #tpu.memory_space<vmem_shared>>
        tpu.wait_indirect_dma semaphore(%run_scoped3A_47 : memref<!tpu.dma_semaphore, #tpu.memory_space<semaphore_mem>>) src(%arg7 : memref<128x128xf32, #tpu.memory_space<vmem>>) dst(%dma_wait3A_59 : memref<10240x128xf32, #tpu.memory_space<vmem_shared>>)
        tpu.yield
      }) : () -> ()
    }
    %barrier3A_22 = arith.constant 0 : index
    tpu.barrier barrier_id(%barrier3A_22)
    %mul3A_23 = arith.constant 640 : i32
    %mul3A_24 = arith.muli %arg1, %mul3A_23 : i32
    %mul3A_25 = arith.constant 640 : i32
    %mul3A_26 = arith.muli %arg1, %mul3A_25 : i32
    "tpu.region"() ({
      %run_scoped3A = tpu.sem_alloc : memref<!tpu.dma_semaphore, #tpu.memory_space<semaphore_mem>>
      %dma_start3A = arith.constant 0 : i32
      %dma_start3A_27 = tpu.memref_slice %arg5[%arg0, %mul3A_26, %dma_start3A] : memref<2x10240x128xf32, #tpu.memory_space<hbm>> -> memref<1x640x128xf32, #tpu.memory_space<hbm>>
      %dma_start3A_28 = tpu.memref_squeeze %dma_start3A_27 : memref<1x640x128xf32, #tpu.memory_space<hbm>> -> memref<640x128xf32, #tpu.memory_space<hbm>>
      %dma_start3A_29 = arith.constant 0 : i32
      %dma_start3A_30 = tpu.memref_slice %arg9[%mul3A_24, %dma_start3A_29] : memref<10240x128xf32, #tpu.memory_space<vmem_shared>> -> memref<640x128xf32, #tpu.memory_space<vmem_shared>>
      tpu.enqueue_dma source(%dma_start3A_30 : memref<640x128xf32, #tpu.memory_space<vmem_shared>>) target(%dma_start3A_28 : memref<640x128xf32, #tpu.memory_space<hbm>>) target_semaphore(%run_scoped3A : memref<!tpu.dma_semaphore, #tpu.memory_space<semaphore_mem>>)
      %dma_wait3A = arith.constant 0 : i32
      %dma_wait3A_31 = tpu.memref_slice %arg5[%arg0, %mul3A_26, %dma_wait3A] : memref<2x10240x128xf32, #tpu.memory_space<hbm>> -> memref<1x640x128xf32, #tpu.memory_space<hbm>>
      %dma_wait3A_32 = tpu.memref_squeeze %dma_wait3A_31 : memref<1x640x128xf32, #tpu.memory_space<hbm>> -> memref<640x128xf32, #tpu.memory_space<hbm>>
      %dma_wait3A_33 = arith.constant 0 : i32
      %dma_wait3A_34 = tpu.memref_slice %arg9[%mul3A_24, %dma_wait3A_33] : memref<10240x128xf32, #tpu.memory_space<vmem_shared>> -> memref<640x128xf32, #tpu.memory_space<vmem_shared>>
      tpu.wait_dma2 semaphore(%run_scoped3A : memref<!tpu.dma_semaphore, #tpu.memory_space<semaphore_mem>>) src(%dma_wait3A_34 : memref<640x128xf32, #tpu.memory_space<vmem_shared>>) dst(%dma_wait3A_32 : memref<640x128xf32, #tpu.memory_space<hbm>>)
      tpu.yield
    }) : () -> ()
    return
  }
}

#map = affine_map<(d0, d1) -> (0, 0)>
#map1 = affine_map<(d0, d1) -> (0, 0, 0)>
module attributes {stable_mosaic.version = 14 : i64} {
  func.func @k(%arg0: i32, %arg1: i32, %arg2: memref<10000x128xf32, #tpu.memory_space<hbm>>, %arg3: memref<2x321536xi32, #tpu.memory_space<hbm>>, %arg4: memref<640x128xf32, #tpu.memory_space<hbm>>, %arg5: memref<2x10240x128xf32, #tpu.memory_space<hbm>>, %arg6: memref<2x128xi32, #tpu.memory_space<vmem>>, %arg7: memref<128x128xf32, #tpu.memory_space<vmem>>, %arg8: memref<!tpu.dma_semaphore, #tpu.memory_space<semaphore_mem>>, %arg9: memref<10240x128xf32, #tpu.memory_space<vmem_shared>>) attributes {dimension_semantics = [#tpu.dimension_semantics<core_parallel>, #tpu.dimension_semantics<subcore_parallel>], iteration_bounds = array<i64: 2, 16>, scalar_prefetch = 0 : i64, scratch_operands = 4 : i64, tpu.core_type = #tpu.core_type<sc_vector_subcore>, window_params = [{transform_indices = #map}, {transform_indices = #map}, {transform_indices = #map}, {transform_indices = #map1}]} {
    %mul3A = arith.constant 640 : i32
    %mul3A_0 = arith.muli %arg1, %mul3A : i32
    "tpu.region"() ({
      %run_scoped3A = tpu.sem_alloc : memref<!tpu.dma_semaphore, #tpu.memory_space<semaphore_mem>>
      %dma_start3A = arith.constant 0 : i32
      %dma_start3A_27 = tpu.memref_slice %arg9[%mul3A_0, %dma_start3A] : memref<10240x128xf32, #tpu.memory_space<vmem_shared>> -> memref<640x128xf32, #tpu.memory_space<vmem_shared>>
      tpu.enqueue_dma source(%arg4 : memref<640x128xf32, #tpu.memory_space<hbm>>) target(%dma_start3A_27 : memref<640x128xf32, #tpu.memory_space<vmem_shared>>) target_semaphore(%run_scoped3A : memref<!tpu.dma_semaphore, #tpu.memory_space<semaphore_mem>>)
      %dma_wait3A = arith.constant 0 : i32
      %dma_wait3A_28 = tpu.memref_slice %arg9[%mul3A_0, %dma_wait3A] : memref<10240x128xf32, #tpu.memory_space<vmem_shared>> -> memref<640x128xf32, #tpu.memory_space<vmem_shared>>
      tpu.wait_dma2 semaphore(%run_scoped3A : memref<!tpu.dma_semaphore, #tpu.memory_space<semaphore_mem>>) src(%arg4 : memref<640x128xf32, #tpu.memory_space<hbm>>) dst(%dma_wait3A_28 : memref<640x128xf32, #tpu.memory_space<vmem_shared>>)
      tpu.yield
    }) : () -> ()
    %barrier3A = arith.constant 0 : index
    tpu.barrier barrier_id(%barrier3A)
    %eq3A = arith.constant 0 : i32
    %eq3A_1 = arith.cmpi eq, %arg0, %eq3A : i32
    %jit3A = arith.constant 61 : i32
    %jit3A_2 = arith.constant 96 : i32
    %select_n3A = arith.select %eq3A_1, %jit3A, %jit3A_2 : i32
    %eq3A_3 = arith.constant 0 : i32
    %eq3A_4 = arith.cmpi eq, %arg0, %eq3A_3 : i32
    %mul3A_5 = arith.constant 61 : i32
    %mul3A_6 = arith.muli %arg1, %mul3A_5 : i32
    %mul3A_7 = arith.constant 96 : i32
    %mul3A_8 = arith.muli %arg1, %mul3A_7 : i32
    %add3A = arith.constant 976 : i32
    %add3A_9 = arith.addi %add3A, %mul3A_8 : i32
    %select_n3A_10 = arith.select %eq3A_4, %mul3A_6, %add3A_9 : i32
    %mul3A_11 = arith.constant 128 : i32
    %mul3A_12 = arith.muli %select_n3A_10, %mul3A_11 : i32
    %while3A = arith.constant 0 : i32
    %while3A_13 = arith.constant 0 : i32
    %while3A_14 = arith.subi %select_n3A, %while3A_13 : i32
    %while3A_15 = arith.addi %while3A_13, %while3A_14 : i32
    %while3A_16 = arith.constant 1 : i32
    %while3A_17 = arith.divsi %while3A_14, %while3A_16 : i32
    %while3A_18 = arith.muli %while3A_17, %while3A_16 : i32
    %while3A_19 = arith.addi %while3A_13, %while3A_18 : i32
    %while3A_20 = arith.constant 1 : i32
    scf.for %while3A_27 = %while3A_13 to %while3A_19 step %while3A_20  : i32 {
      %mul3A_28 = arith.constant 128 : i32
      %mul3A_29 = arith.muli %while3A_27, %mul3A_28 : i32
      %add3A_30 = arith.addi %mul3A_12, %mul3A_29 : i32
      %run_scoped3A = arith.constant 0 : i32
      %run_scoped3A_31 = arith.constant 0 : i32
      "tpu.region"() ({
        %run_scoped3A_47 = tpu.sem_alloc : memref<!tpu.dma_semaphore, #tpu.memory_space<semaphore_mem>>
        %dma_start3A_48 = arith.constant 0 : i32
        %dma_start3A_49 = tpu.memref_slice %arg6[%run_scoped3A_31, %dma_start3A_48] : memref<2x128xi32, #tpu.memory_space<vmem>> -> memref<1x128xi32, #tpu.memory_space<vmem>>
        %dma_start3A_50 = tpu.memref_squeeze %dma_start3A_49 : memref<1x128xi32, #tpu.memory_space<vmem>> -> memref<128xi32, #tpu.memory_space<vmem>>
        %dma_start3A_51 = tpu.memref_slice %arg3[%run_scoped3A, %add3A_30] : memref<2x321536xi32, #tpu.memory_space<hbm>> -> memref<1x128xi32, #tpu.memory_space<hbm>>
        %dma_start3A_52 = tpu.memref_squeeze %dma_start3A_51 : memref<1x128xi32, #tpu.memory_space<hbm>> -> memref<128xi32, #tpu.memory_space<hbm>>
        %dma_start3A_53 = arith.constant 0 : i32
        %dma_start3A_54 = tpu.memref_slice %arg6[%run_scoped3A_31, %dma_start3A_53] : memref<2x128xi32, #tpu.memory_space<vmem>> -> memref<1x128xi32, #tpu.memory_space<vmem>>
        %dma_start3A_55 = tpu.memref_squeeze %dma_start3A_54 : memref<1x128xi32, #tpu.memory_space<vmem>> -> memref<128xi32, #tpu.memory_space<vmem>>
        %dma_start3A_56 = tpu.memref_slice %arg3[%run_scoped3A, %add3A_30] : memref<2x321536xi32, #tpu.memory_space<hbm>> -> memref<1x128xi32, #tpu.memory_space<hbm>>
        %dma_start3A_57 = tpu.memref_squeeze %dma_start3A_56 : memref<1x128xi32, #tpu.memory_space<hbm>> -> memref<128xi32, #tpu.memory_space<hbm>>
        tpu.enqueue_dma source(%dma_start3A_57 : memref<128xi32, #tpu.memory_space<hbm>>) target(%dma_start3A_55 : memref<128xi32, #tpu.memory_space<vmem>>) target_semaphore(%run_scoped3A_47 : memref<!tpu.dma_semaphore, #tpu.memory_space<semaphore_mem>>)
        %dma_wait3A_58 = arith.constant 0 : i32
        %dma_wait3A_59 = tpu.memref_slice %arg6[%run_scoped3A_31, %dma_wait3A_58] : memref<2x128xi32, #tpu.memory_space<vmem>> -> memref<1x128xi32, #tpu.memory_space<vmem>>
        %dma_wait3A_60 = tpu.memref_squeeze %dma_wait3A_59 : memref<1x128xi32, #tpu.memory_space<vmem>> -> memref<128xi32, #tpu.memory_space<vmem>>
        %dma_wait3A_61 = tpu.memref_slice %arg3[%run_scoped3A, %add3A_30] : memref<2x321536xi32, #tpu.memory_space<hbm>> -> memref<1x128xi32, #tpu.memory_space<hbm>>
        %dma_wait3A_62 = tpu.memref_squeeze %dma_wait3A_61 : memref<1x128xi32, #tpu.memory_space<hbm>> -> memref<128xi32, #tpu.memory_space<hbm>>
        %dma_wait3A_63 = arith.constant 0 : i32
        %dma_wait3A_64 = tpu.memref_slice %arg6[%run_scoped3A_31, %dma_wait3A_63] : memref<2x128xi32, #tpu.memory_space<vmem>> -> memref<1x128xi32, #tpu.memory_space<vmem>>
        %dma_wait3A_65 = tpu.memref_squeeze %dma_wait3A_64 : memref<1x128xi32, #tpu.memory_space<vmem>> -> memref<128xi32, #tpu.memory_space<vmem>>
        %dma_wait3A_66 = tpu.memref_slice %arg3[%run_scoped3A, %add3A_30] : memref<2x321536xi32, #tpu.memory_space<hbm>> -> memref<1x128xi32, #tpu.memory_space<hbm>>
        %dma_wait3A_67 = tpu.memref_squeeze %dma_wait3A_66 : memref<1x128xi32, #tpu.memory_space<hbm>> -> memref<128xi32, #tpu.memory_space<hbm>>
        tpu.wait_dma2 semaphore(%run_scoped3A_47 : memref<!tpu.dma_semaphore, #tpu.memory_space<semaphore_mem>>) src(%dma_wait3A_67 : memref<128xi32, #tpu.memory_space<hbm>>) dst(%dma_wait3A_65 : memref<128xi32, #tpu.memory_space<vmem>>)
        tpu.yield
      }) : () -> ()
      %run_scoped3A_32 = arith.constant 1 : i32
      %run_scoped3A_33 = arith.constant 1 : i32
      "tpu.region"() ({
        %run_scoped3A_47 = tpu.sem_alloc : memref<!tpu.dma_semaphore, #tpu.memory_space<semaphore_mem>>
        %dma_start3A_48 = arith.constant 0 : i32
        %dma_start3A_49 = tpu.memref_slice %arg6[%run_scoped3A_33, %dma_start3A_48] : memref<2x128xi32, #tpu.memory_space<vmem>> -> memref<1x128xi32, #tpu.memory_space<vmem>>
        %dma_start3A_50 = tpu.memref_squeeze %dma_start3A_49 : memref<1x128xi32, #tpu.memory_space<vmem>> -> memref<128xi32, #tpu.memory_space<vmem>>
        %dma_start3A_51 = tpu.memref_slice %arg3[%run_scoped3A_32, %add3A_30] : memref<2x321536xi32, #tpu.memory_space<hbm>> -> memref<1x128xi32, #tpu.memory_space<hbm>>
        %dma_start3A_52 = tpu.memref_squeeze %dma_start3A_51 : memref<1x128xi32, #tpu.memory_space<hbm>> -> memref<128xi32, #tpu.memory_space<hbm>>
        %dma_start3A_53 = arith.constant 0 : i32
        %dma_start3A_54 = tpu.memref_slice %arg6[%run_scoped3A_33, %dma_start3A_53] : memref<2x128xi32, #tpu.memory_space<vmem>> -> memref<1x128xi32, #tpu.memory_space<vmem>>
        %dma_start3A_55 = tpu.memref_squeeze %dma_start3A_54 : memref<1x128xi32, #tpu.memory_space<vmem>> -> memref<128xi32, #tpu.memory_space<vmem>>
        %dma_start3A_56 = tpu.memref_slice %arg3[%run_scoped3A_32, %add3A_30] : memref<2x321536xi32, #tpu.memory_space<hbm>> -> memref<1x128xi32, #tpu.memory_space<hbm>>
        %dma_start3A_57 = tpu.memref_squeeze %dma_start3A_56 : memref<1x128xi32, #tpu.memory_space<hbm>> -> memref<128xi32, #tpu.memory_space<hbm>>
        tpu.enqueue_dma source(%dma_start3A_57 : memref<128xi32, #tpu.memory_space<hbm>>) target(%dma_start3A_55 : memref<128xi32, #tpu.memory_space<vmem>>) target_semaphore(%run_scoped3A_47 : memref<!tpu.dma_semaphore, #tpu.memory_space<semaphore_mem>>)
        %dma_wait3A_58 = arith.constant 0 : i32
        %dma_wait3A_59 = tpu.memref_slice %arg6[%run_scoped3A_33, %dma_wait3A_58] : memref<2x128xi32, #tpu.memory_space<vmem>> -> memref<1x128xi32, #tpu.memory_space<vmem>>
        %dma_wait3A_60 = tpu.memref_squeeze %dma_wait3A_59 : memref<1x128xi32, #tpu.memory_space<vmem>> -> memref<128xi32, #tpu.memory_space<vmem>>
        %dma_wait3A_61 = tpu.memref_slice %arg3[%run_scoped3A_32, %add3A_30] : memref<2x321536xi32, #tpu.memory_space<hbm>> -> memref<1x128xi32, #tpu.memory_space<hbm>>
        %dma_wait3A_62 = tpu.memref_squeeze %dma_wait3A_61 : memref<1x128xi32, #tpu.memory_space<hbm>> -> memref<128xi32, #tpu.memory_space<hbm>>
        %dma_wait3A_63 = arith.constant 0 : i32
        %dma_wait3A_64 = tpu.memref_slice %arg6[%run_scoped3A_33, %dma_wait3A_63] : memref<2x128xi32, #tpu.memory_space<vmem>> -> memref<1x128xi32, #tpu.memory_space<vmem>>
        %dma_wait3A_65 = tpu.memref_squeeze %dma_wait3A_64 : memref<1x128xi32, #tpu.memory_space<vmem>> -> memref<128xi32, #tpu.memory_space<vmem>>
        %dma_wait3A_66 = tpu.memref_slice %arg3[%run_scoped3A_32, %add3A_30] : memref<2x321536xi32, #tpu.memory_space<hbm>> -> memref<1x128xi32, #tpu.memory_space<hbm>>
        %dma_wait3A_67 = tpu.memref_squeeze %dma_wait3A_66 : memref<1x128xi32, #tpu.memory_space<hbm>> -> memref<128xi32, #tpu.memory_space<hbm>>
        tpu.wait_dma2 semaphore(%run_scoped3A_47 : memref<!tpu.dma_semaphore, #tpu.memory_space<semaphore_mem>>) src(%dma_wait3A_67 : memref<128xi32, #tpu.memory_space<hbm>>) dst(%dma_wait3A_65 : memref<128xi32, #tpu.memory_space<vmem>>)
        tpu.yield
      }) : () -> ()
      %dma_start3A = arith.constant 0 : i32
      %dma_start3A_34 = arith.constant 0 : i32
      %dma_start3A_35 = tpu.memref_slice %arg6[%dma_start3A, %dma_start3A_34] : memref<2x128xi32, #tpu.memory_space<vmem>> -> memref<1x128xi32, #tpu.memory_space<vmem>>
      %dma_start3A_36 = tpu.memref_squeeze %dma_start3A_35 : memref<1x128xi32, #tpu.memory_space<vmem>> -> memref<128xi32, #tpu.memory_space<vmem>>
      %dma_start3A_37 = arith.constant 0 : i32
      %dma_start3A_38 = arith.constant 0 : i32
      %dma_start3A_39 = tpu.memref_slice %arg2[%dma_start3A_37, %dma_start3A_38] : memref<10000x128xf32, #tpu.memory_space<hbm>> -> memref<10000x128xf32, #tpu.memory_space<hbm>>
      tpu.enqueue_indirect_dma source(%dma_start3A_39 : memref<10000x128xf32, #tpu.memory_space<hbm>>) target(%arg7 : memref<128x128xf32, #tpu.memory_space<vmem>>) offsets(%dma_start3A_36 : memref<128xi32, #tpu.memory_space<vmem>>) semaphore(%arg8 : memref<!tpu.dma_semaphore, #tpu.memory_space<semaphore_mem>>)
      %dma_wait3A = arith.constant 0 : i32
      %dma_wait3A_40 = arith.constant 0 : i32
      %dma_wait3A_41 = tpu.memref_slice %arg6[%dma_wait3A, %dma_wait3A_40] : memref<2x128xi32, #tpu.memory_space<vmem>> -> memref<1x128xi32, #tpu.memory_space<vmem>>
      %dma_wait3A_42 = tpu.memref_squeeze %dma_wait3A_41 : memref<1x128xi32, #tpu.memory_space<vmem>> -> memref<128xi32, #tpu.memory_space<vmem>>
      %dma_wait3A_43 = arith.constant 0 : i32
      %dma_wait3A_44 = arith.constant 0 : i32
      %dma_wait3A_45 = tpu.memref_slice %arg2[%dma_wait3A_43, %dma_wait3A_44] : memref<10000x128xf32, #tpu.memory_space<hbm>> -> memref<10000x128xf32, #tpu.memory_space<hbm>>
      tpu.wait_indirect_dma semaphore(%arg8 : memref<!tpu.dma_semaphore, #tpu.memory_space<semaphore_mem>>) src(%dma_wait3A_45 : memref<10000x128xf32, #tpu.memory_space<hbm>>) dst(%arg7 : memref<128x128xf32, #tpu.memory_space<vmem>>)
      %run_scoped3A_46 = arith.constant 1 : i32
      "tpu.region"() ({
        %run_scoped3A_47 = tpu.sem_alloc : memref<!tpu.dma_semaphore, #tpu.memory_space<semaphore_mem>>
        %dma_start3A_48 = arith.constant 0 : i32
        %dma_start3A_49 = tpu.memref_slice %arg6[%run_scoped3A_46, %dma_start3A_48] : memref<2x128xi32, #tpu.memory_space<vmem>> -> memref<1x128xi32, #tpu.memory_space<vmem>>
        %dma_start3A_50 = tpu.memref_squeeze %dma_start3A_49 : memref<1x128xi32, #tpu.memory_space<vmem>> -> memref<128xi32, #tpu.memory_space<vmem>>
        %dma_start3A_51 = arith.constant 0 : i32
        %dma_start3A_52 = arith.constant 0 : i32
        %dma_start3A_53 = tpu.memref_slice %arg9[%dma_start3A_51, %dma_start3A_52] : memref<10240x128xf32, #tpu.memory_space<vmem_shared>> -> memref<10240x128xf32, #tpu.memory_space<vmem_shared>>
        tpu.enqueue_indirect_dma source(%arg7 : memref<128x128xf32, #tpu.memory_space<vmem>>) target(%dma_start3A_53 : memref<10240x128xf32, #tpu.memory_space<vmem_shared>>) offsets(%dma_start3A_50 : memref<128xi32, #tpu.memory_space<vmem>>) semaphore(%run_scoped3A_47 : memref<!tpu.dma_semaphore, #tpu.memory_space<semaphore_mem>>) {add = true}
        %dma_wait3A_54 = arith.constant 0 : i32
        %dma_wait3A_55 = tpu.memref_slice %arg6[%run_scoped3A_46, %dma_wait3A_54] : memref<2x128xi32, #tpu.memory_space<vmem>> -> memref<1x128xi32, #tpu.memory_space<vmem>>
        %dma_wait3A_56 = tpu.memref_squeeze %dma_wait3A_55 : memref<1x128xi32, #tpu.memory_space<vmem>> -> memref<128xi32, #tpu.memory_space<vmem>>
        %dma_wait3A_57 = arith.constant 0 : i32
        %dma_wait3A_58 = arith.constant 0 : i32
        %dma_wait3A_59 = tpu.memref_slice %arg9[%dma_wait3A_57, %dma_wait3A_58] : memref<10240x128xf32, #tpu.memory_space<vmem_shared>> -> memref<10240x128xf32, #tpu.memory_space<vmem_shared>>
        tpu.wait_indirect_dma semaphore(%run_scoped3A_47 : memref<!tpu.dma_semaphore, #tpu.memory_space<semaphore_mem>>) src(%arg7 : memref<128x128xf32, #tpu.memory_space<vmem>>) dst(%dma_wait3A_59 : memref<10240x128xf32, #tpu.memory_space<vmem_shared>>)
        tpu.yield
      }) : () -> ()
    }
    %while3A_21 = arith.constant 1 : i32
    scf.for %while3A_27 = %while3A_19 to %while3A_15 step %while3A_21  : i32 {
      %mul3A_28 = arith.constant 128 : i32
      %mul3A_29 = arith.muli %while3A_27, %mul3A_28 : i32
      %add3A_30 = arith.addi %mul3A_12, %mul3A_29 : i32
      %run_scoped3A = arith.constant 0 : i32
      %run_scoped3A_31 = arith.constant 0 : i32
      "tpu.region"() ({
        %run_scoped3A_47 = tpu.sem_alloc : memref<!tpu.dma_semaphore, #tpu.memory_space<semaphore_mem>>
        %dma_start3A_48 = arith.constant 0 : i32
        %dma_start3A_49 = tpu.memref_slice %arg6[%run_scoped3A_31, %dma_start3A_48] : memref<2x128xi32, #tpu.memory_space<vmem>> -> memref<1x128xi32, #tpu.memory_space<vmem>>
        %dma_start3A_50 = tpu.memref_squeeze %dma_start3A_49 : memref<1x128xi32, #tpu.memory_space<vmem>> -> memref<128xi32, #tpu.memory_space<vmem>>
        %dma_start3A_51 = tpu.memref_slice %arg3[%run_scoped3A, %add3A_30] : memref<2x321536xi32, #tpu.memory_space<hbm>> -> memref<1x128xi32, #tpu.memory_space<hbm>>
        %dma_start3A_52 = tpu.memref_squeeze %dma_start3A_51 : memref<1x128xi32, #tpu.memory_space<hbm>> -> memref<128xi32, #tpu.memory_space<hbm>>
        %dma_start3A_53 = arith.constant 0 : i32
        %dma_start3A_54 = tpu.memref_slice %arg6[%run_scoped3A_31, %dma_start3A_53] : memref<2x128xi32, #tpu.memory_space<vmem>> -> memref<1x128xi32, #tpu.memory_space<vmem>>
        %dma_start3A_55 = tpu.memref_squeeze %dma_start3A_54 : memref<1x128xi32, #tpu.memory_space<vmem>> -> memref<128xi32, #tpu.memory_space<vmem>>
        %dma_start3A_56 = tpu.memref_slice %arg3[%run_scoped3A, %add3A_30] : memref<2x321536xi32, #tpu.memory_space<hbm>> -> memref<1x128xi32, #tpu.memory_space<hbm>>
        %dma_start3A_57 = tpu.memref_squeeze %dma_start3A_56 : memref<1x128xi32, #tpu.memory_space<hbm>> -> memref<128xi32, #tpu.memory_space<hbm>>
        tpu.enqueue_dma source(%dma_start3A_57 : memref<128xi32, #tpu.memory_space<hbm>>) target(%dma_start3A_55 : memref<128xi32, #tpu.memory_space<vmem>>) target_semaphore(%run_scoped3A_47 : memref<!tpu.dma_semaphore, #tpu.memory_space<semaphore_mem>>)
        %dma_wait3A_58 = arith.constant 0 : i32
        %dma_wait3A_59 = tpu.memref_slice %arg6[%run_scoped3A_31, %dma_wait3A_58] : memref<2x128xi32, #tpu.memory_space<vmem>> -> memref<1x128xi32, #tpu.memory_space<vmem>>
        %dma_wait3A_60 = tpu.memref_squeeze %dma_wait3A_59 : memref<1x128xi32, #tpu.memory_space<vmem>> -> memref<128xi32, #tpu.memory_space<vmem>>
        %dma_wait3A_61 = tpu.memref_slice %arg3[%run_scoped3A, %add3A_30] : memref<2x321536xi32, #tpu.memory_space<hbm>> -> memref<1x128xi32, #tpu.memory_space<hbm>>
        %dma_wait3A_62 = tpu.memref_squeeze %dma_wait3A_61 : memref<1x128xi32, #tpu.memory_space<hbm>> -> memref<128xi32, #tpu.memory_space<hbm>>
        %dma_wait3A_63 = arith.constant 0 : i32
        %dma_wait3A_64 = tpu.memref_slice %arg6[%run_scoped3A_31, %dma_wait3A_63] : memref<2x128xi32, #tpu.memory_space<vmem>> -> memref<1x128xi32, #tpu.memory_space<vmem>>
        %dma_wait3A_65 = tpu.memref_squeeze %dma_wait3A_64 : memref<1x128xi32, #tpu.memory_space<vmem>> -> memref<128xi32, #tpu.memory_space<vmem>>
        %dma_wait3A_66 = tpu.memref_slice %arg3[%run_scoped3A, %add3A_30] : memref<2x321536xi32, #tpu.memory_space<hbm>> -> memref<1x128xi32, #tpu.memory_space<hbm>>
        %dma_wait3A_67 = tpu.memref_squeeze %dma_wait3A_66 : memref<1x128xi32, #tpu.memory_space<hbm>> -> memref<128xi32, #tpu.memory_space<hbm>>
        tpu.wait_dma2 semaphore(%run_scoped3A_47 : memref<!tpu.dma_semaphore, #tpu.memory_space<semaphore_mem>>) src(%dma_wait3A_67 : memref<128xi32, #tpu.memory_space<hbm>>) dst(%dma_wait3A_65 : memref<128xi32, #tpu.memory_space<vmem>>)
        tpu.yield
      }) : () -> ()
      %run_scoped3A_32 = arith.constant 1 : i32
      %run_scoped3A_33 = arith.constant 1 : i32
      "tpu.region"() ({
        %run_scoped3A_47 = tpu.sem_alloc : memref<!tpu.dma_semaphore, #tpu.memory_space<semaphore_mem>>
        %dma_start3A_48 = arith.constant 0 : i32
        %dma_start3A_49 = tpu.memref_slice %arg6[%run_scoped3A_33, %dma_start3A_48] : memref<2x128xi32, #tpu.memory_space<vmem>> -> memref<1x128xi32, #tpu.memory_space<vmem>>
        %dma_start3A_50 = tpu.memref_squeeze %dma_start3A_49 : memref<1x128xi32, #tpu.memory_space<vmem>> -> memref<128xi32, #tpu.memory_space<vmem>>
        %dma_start3A_51 = tpu.memref_slice %arg3[%run_scoped3A_32, %add3A_30] : memref<2x321536xi32, #tpu.memory_space<hbm>> -> memref<1x128xi32, #tpu.memory_space<hbm>>
        %dma_start3A_52 = tpu.memref_squeeze %dma_start3A_51 : memref<1x128xi32, #tpu.memory_space<hbm>> -> memref<128xi32, #tpu.memory_space<hbm>>
        %dma_start3A_53 = arith.constant 0 : i32
        %dma_start3A_54 = tpu.memref_slice %arg6[%run_scoped3A_33, %dma_start3A_53] : memref<2x128xi32, #tpu.memory_space<vmem>> -> memref<1x128xi32, #tpu.memory_space<vmem>>
        %dma_start3A_55 = tpu.memref_squeeze %dma_start3A_54 : memref<1x128xi32, #tpu.memory_space<vmem>> -> memref<128xi32, #tpu.memory_space<vmem>>
        %dma_start3A_56 = tpu.memref_slice %arg3[%run_scoped3A_32, %add3A_30] : memref<2x321536xi32, #tpu.memory_space<hbm>> -> memref<1x128xi32, #tpu.memory_space<hbm>>
        %dma_start3A_57 = tpu.memref_squeeze %dma_start3A_56 : memref<1x128xi32, #tpu.memory_space<hbm>> -> memref<128xi32, #tpu.memory_space<hbm>>
        tpu.enqueue_dma source(%dma_start3A_57 : memref<128xi32, #tpu.memory_space<hbm>>) target(%dma_start3A_55 : memref<128xi32, #tpu.memory_space<vmem>>) target_semaphore(%run_scoped3A_47 : memref<!tpu.dma_semaphore, #tpu.memory_space<semaphore_mem>>)
        %dma_wait3A_58 = arith.constant 0 : i32
        %dma_wait3A_59 = tpu.memref_slice %arg6[%run_scoped3A_33, %dma_wait3A_58] : memref<2x128xi32, #tpu.memory_space<vmem>> -> memref<1x128xi32, #tpu.memory_space<vmem>>
        %dma_wait3A_60 = tpu.memref_squeeze %dma_wait3A_59 : memref<1x128xi32, #tpu.memory_space<vmem>> -> memref<128xi32, #tpu.memory_space<vmem>>
        %dma_wait3A_61 = tpu.memref_slice %arg3[%run_scoped3A_32, %add3A_30] : memref<2x321536xi32, #tpu.memory_space<hbm>> -> memref<1x128xi32, #tpu.memory_space<hbm>>
        %dma_wait3A_62 = tpu.memref_squeeze %dma_wait3A_61 : memref<1x128xi32, #tpu.memory_space<hbm>> -> memref<128xi32, #tpu.memory_space<hbm>>
        %dma_wait3A_63 = arith.constant 0 : i32
        %dma_wait3A_64 = tpu.memref_slice %arg6[%run_scoped3A_33, %dma_wait3A_63] : memref<2x128xi32, #tpu.memory_space<vmem>> -> memref<1x128xi32, #tpu.memory_space<vmem>>
        %dma_wait3A_65 = tpu.memref_squeeze %dma_wait3A_64 : memref<1x128xi32, #tpu.memory_space<vmem>> -> memref<128xi32, #tpu.memory_space<vmem>>
        %dma_wait3A_66 = tpu.memref_slice %arg3[%run_scoped3A_32, %add3A_30] : memref<2x321536xi32, #tpu.memory_space<hbm>> -> memref<1x128xi32, #tpu.memory_space<hbm>>
        %dma_wait3A_67 = tpu.memref_squeeze %dma_wait3A_66 : memref<1x128xi32, #tpu.memory_space<hbm>> -> memref<128xi32, #tpu.memory_space<hbm>>
        tpu.wait_dma2 semaphore(%run_scoped3A_47 : memref<!tpu.dma_semaphore, #tpu.memory_space<semaphore_mem>>) src(%dma_wait3A_67 : memref<128xi32, #tpu.memory_space<hbm>>) dst(%dma_wait3A_65 : memref<128xi32, #tpu.memory_space<vmem>>)
        tpu.yield
      }) : () -> ()
      %dma_start3A = arith.constant 0 : i32
      %dma_start3A_34 = arith.constant 0 : i32
      %dma_start3A_35 = tpu.memref_slice %arg6[%dma_start3A, %dma_start3A_34] : memref<2x128xi32, #tpu.memory_space<vmem>> -> memref<1x128xi32, #tpu.memory_space<vmem>>
      %dma_start3A_36 = tpu.memref_squeeze %dma_start3A_35 : memref<1x128xi32, #tpu.memory_space<vmem>> -> memref<128xi32, #tpu.memory_space<vmem>>
      %dma_start3A_37 = arith.constant 0 : i32
      %dma_start3A_38 = arith.constant 0 : i32
      %dma_start3A_39 = tpu.memref_slice %arg2[%dma_start3A_37, %dma_start3A_38] : memref<10000x128xf32, #tpu.memory_space<hbm>> -> memref<10000x128xf32, #tpu.memory_space<hbm>>
      tpu.enqueue_indirect_dma source(%dma_start3A_39 : memref<10000x128xf32, #tpu.memory_space<hbm>>) target(%arg7 : memref<128x128xf32, #tpu.memory_space<vmem>>) offsets(%dma_start3A_36 : memref<128xi32, #tpu.memory_space<vmem>>) semaphore(%arg8 : memref<!tpu.dma_semaphore, #tpu.memory_space<semaphore_mem>>)
      %dma_wait3A = arith.constant 0 : i32
      %dma_wait3A_40 = arith.constant 0 : i32
      %dma_wait3A_41 = tpu.memref_slice %arg6[%dma_wait3A, %dma_wait3A_40] : memref<2x128xi32, #tpu.memory_space<vmem>> -> memref<1x128xi32, #tpu.memory_space<vmem>>
      %dma_wait3A_42 = tpu.memref_squeeze %dma_wait3A_41 : memref<1x128xi32, #tpu.memory_space<vmem>> -> memref<128xi32, #tpu.memory_space<vmem>>
      %dma_wait3A_43 = arith.constant 0 : i32
      %dma_wait3A_44 = arith.constant 0 : i32
      %dma_wait3A_45 = tpu.memref_slice %arg2[%dma_wait3A_43, %dma_wait3A_44] : memref<10000x128xf32, #tpu.memory_space<hbm>> -> memref<10000x128xf32, #tpu.memory_space<hbm>>
      tpu.wait_indirect_dma semaphore(%arg8 : memref<!tpu.dma_semaphore, #tpu.memory_space<semaphore_mem>>) src(%dma_wait3A_45 : memref<10000x128xf32, #tpu.memory_space<hbm>>) dst(%arg7 : memref<128x128xf32, #tpu.memory_space<vmem>>)
      %run_scoped3A_46 = arith.constant 1 : i32
      "tpu.region"() ({
        %run_scoped3A_47 = tpu.sem_alloc : memref<!tpu.dma_semaphore, #tpu.memory_space<semaphore_mem>>
        %dma_start3A_48 = arith.constant 0 : i32
        %dma_start3A_49 = tpu.memref_slice %arg6[%run_scoped3A_46, %dma_start3A_48] : memref<2x128xi32, #tpu.memory_space<vmem>> -> memref<1x128xi32, #tpu.memory_space<vmem>>
        %dma_start3A_50 = tpu.memref_squeeze %dma_start3A_49 : memref<1x128xi32, #tpu.memory_space<vmem>> -> memref<128xi32, #tpu.memory_space<vmem>>
        %dma_start3A_51 = arith.constant 0 : i32
        %dma_start3A_52 = arith.constant 0 : i32
        %dma_start3A_53 = tpu.memref_slice %arg9[%dma_start3A_51, %dma_start3A_52] : memref<10240x128xf32, #tpu.memory_space<vmem_shared>> -> memref<10240x128xf32, #tpu.memory_space<vmem_shared>>
        tpu.enqueue_indirect_dma source(%arg7 : memref<128x128xf32, #tpu.memory_space<vmem>>) target(%dma_start3A_53 : memref<10240x128xf32, #tpu.memory_space<vmem_shared>>) offsets(%dma_start3A_50 : memref<128xi32, #tpu.memory_space<vmem>>) semaphore(%run_scoped3A_47 : memref<!tpu.dma_semaphore, #tpu.memory_space<semaphore_mem>>) {add = true}
        %dma_wait3A_54 = arith.constant 0 : i32
        %dma_wait3A_55 = tpu.memref_slice %arg6[%run_scoped3A_46, %dma_wait3A_54] : memref<2x128xi32, #tpu.memory_space<vmem>> -> memref<1x128xi32, #tpu.memory_space<vmem>>
        %dma_wait3A_56 = tpu.memref_squeeze %dma_wait3A_55 : memref<1x128xi32, #tpu.memory_space<vmem>> -> memref<128xi32, #tpu.memory_space<vmem>>
        %dma_wait3A_57 = arith.constant 0 : i32
        %dma_wait3A_58 = arith.constant 0 : i32
        %dma_wait3A_59 = tpu.memref_slice %arg9[%dma_wait3A_57, %dma_wait3A_58] : memref<10240x128xf32, #tpu.memory_space<vmem_shared>> -> memref<10240x128xf32, #tpu.memory_space<vmem_shared>>
        tpu.wait_indirect_dma semaphore(%run_scoped3A_47 : memref<!tpu.dma_semaphore, #tpu.memory_space<semaphore_mem>>) src(%arg7 : memref<128x128xf32, #tpu.memory_space<vmem>>) dst(%dma_wait3A_59 : memref<10240x128xf32, #tpu.memory_space<vmem_shared>>)
        tpu.yield
      }) : () -> ()
    }
    %barrier3A_22 = arith.constant 0 : index
    tpu.barrier barrier_id(%barrier3A_22)
    %mul3A_23 = arith.constant 640 : i32
    %mul3A_24 = arith.muli %arg1, %mul3A_23 : i32
    %mul3A_25 = arith.constant 640 : i32
    %mul3A_26 = arith.muli %arg1, %mul3A_25 : i32
    "tpu.region"() ({
      %run_scoped3A = tpu.sem_alloc : memref<!tpu.dma_semaphore, #tpu.memory_space<semaphore_mem>>
      %dma_start3A = arith.constant 0 : i32
      %dma_start3A_27 = tpu.memref_slice %arg5[%arg0, %mul3A_26, %dma_start3A] : memref<2x10240x128xf32, #tpu.memory_space<hbm>> -> memref<1x640x128xf32, #tpu.memory_space<hbm>>
      %dma_start3A_28 = tpu.memref_squeeze %dma_start3A_27 : memref<1x640x128xf32, #tpu.memory_space<hbm>> -> memref<640x128xf32, #tpu.memory_space<hbm>>
      %dma_start3A_29 = arith.constant 0 : i32
      %dma_start3A_30 = tpu.memref_slice %arg9[%mul3A_24, %dma_start3A_29] : memref<10240x128xf32, #tpu.memory_space<vmem_shared>> -> memref<640x128xf32, #tpu.memory_space<vmem_shared>>
      tpu.enqueue_dma source(%dma_start3A_30 : memref<640x128xf32, #tpu.memory_space<vmem_shared>>) target(%dma_start3A_28 : memref<640x128xf32, #tpu.memory_space<hbm>>) target_semaphore(%run_scoped3A : memref<!tpu.dma_semaphore, #tpu.memory_space<semaphore_mem>>)
      %dma_wait3A = arith.constant 0 : i32
      %dma_wait3A_31 = tpu.memref_slice %arg5[%arg0, %mul3A_26, %dma_wait3A] : memref<2x10240x128xf32, #tpu.memory_space<hbm>> -> memref<1x640x128xf32, #tpu.memory_space<hbm>>
      %dma_wait3A_32 = tpu.memref_squeeze %dma_wait3A_31 : memref<1x640x128xf32, #tpu.memory_space<hbm>> -> memref<640x128xf32, #tpu.memory_space<hbm>>
      %dma_wait3A_33 = arith.constant 0 : i32
      %dma_wait3A_34 = tpu.memref_slice %arg9[%mul3A_24, %dma_wait3A_33] : memref<10240x128xf32, #tpu.memory_space<vmem_shared>> -> memref<640x128xf32, #tpu.memory_space<vmem_shared>>
      tpu.wait_dma2 semaphore(%run_scoped3A : memref<!tpu.dma_semaphore, #tpu.memory_space<semaphore_mem>>) src(%dma_wait3A_34 : memref<640x128xf32, #tpu.memory_space<vmem_shared>>) dst(%dma_wait3A_32 : memref<640x128xf32, #tpu.memory_space<hbm>>)
      tpu.yield
    }) : () -> ()
    return
  }
}

module attributes {stable_mosaic.version = 14 : i64} {
  func.func @body(%arg0: i32, %arg1: memref<400x128xf32, #tpu.memory_space<vmem>>, %arg2: memref<2x400x128xf32, #tpu.memory_space<vmem>>, %arg3: memref<400x1xf32, #tpu.memory_space<vmem>>, %arg4: memref<128x128xf32, #tpu.memory_space<vmem>>, %arg5: memref<128x128xf32, #tpu.memory_space<vmem>>, %arg6: memref<1x128xf32, #tpu.memory_space<vmem>>, %arg7: memref<400x128xf32, #tpu.memory_space<vmem>>) attributes {dimension_semantics = [#tpu.dimension_semantics<arbitrary>], iteration_bounds = array<i64: 25>, scalar_prefetch = 0 : i64, scratch_operands = 0 : i64, tpu.core_type = #tpu.core_type<tc>, window_params = [{transform_indices = @transform_0, window_bounds = array<i64: 400, 128>}, {transform_indices = @transform_1, window_bounds = array<i64: 2, 400, 128>}, {transform_indices = @transform_2, window_bounds = array<i64: 400, 1>}, {pipeline_mode = #tpu.pipeline_mode<synchronous>, transform_indices = @transform_3, window_bounds = array<i64: 128, 128>}, {pipeline_mode = #tpu.pipeline_mode<synchronous>, transform_indices = @transform_4, window_bounds = array<i64: 128, 128>}, {pipeline_mode = #tpu.pipeline_mode<synchronous>, transform_indices = @transform_5, window_bounds = array<i64: 1, 128>}, {transform_indices = @transform_6, window_bounds = array<i64: 400, 128>}]} {
    %get3A = arith.constant 0 : index
    %get3A_0 = arith.constant 0 : index
    %get3A_1 = arith.constant 0 : index
    %get3A_2 = vector.load %arg2[%get3A, %get3A_0, %get3A_1] : memref<2x400x128xf32, #tpu.memory_space<vmem>>, vector<1x400x128xf32>
    %get3A_3 = vector.shape_cast %get3A_2 : vector<1x400x128xf32> to vector<400x128xf32>
    %get3A_4 = arith.constant 1 : index
    %get3A_5 = arith.constant 0 : index
    %get3A_6 = arith.constant 0 : index
    %get3A_7 = vector.load %arg2[%get3A_4, %get3A_5, %get3A_6] : memref<2x400x128xf32, #tpu.memory_space<vmem>>, vector<1x400x128xf32>
    %get3A_8 = vector.shape_cast %get3A_7 : vector<1x400x128xf32> to vector<400x128xf32>
    %add3A = arith.addf %get3A_3, %get3A_8 : vector<400x128xf32>
    %get3A_9 = arith.constant 0 : index
    %get3A_10 = arith.constant 0 : index
    %get3A_11 = vector.load %arg3[%get3A_9, %get3A_10] : memref<400x1xf32, #tpu.memory_space<vmem>>, vector<400x1xf32>
    %mul3A = vector.broadcast %get3A_11 : vector<400x1xf32> to vector<400x128xf32>
    %mul3A_12 = arith.mulf %add3A, %mul3A : vector<400x128xf32>
    %get3A_13 = arith.constant 0 : index
    %get3A_14 = arith.constant 0 : index
    %get3A_15 = vector.load %arg1[%get3A_13, %get3A_14] : memref<400x128xf32, #tpu.memory_space<vmem>>, vector<400x128xf32>
    %get3A_16 = arith.constant 0 : index
    %get3A_17 = arith.constant 0 : index
    %get3A_18 = vector.load %arg4[%get3A_16, %get3A_17] : memref<128x128xf32, #tpu.memory_space<vmem>>, vector<128x128xf32>
    %dot_general3A = arith.constant dense<0.000000e+00> : vector<400x128xf32>
    %dot_general3A_19 = tpu.matmul %get3A_15, %get3A_18, %dot_general3A {dimension_numbers = #tpu.dot_dimension_numbers<[1], [0], [0], [1], [0, 0, 1, 1], [], []>, transpose_lhs_hint = false} : vector<400x128xf32>, vector<128x128xf32>, vector<400x128xf32> -> vector<400x128xf32>
    %get3A_20 = arith.constant 0 : index
    %get3A_21 = arith.constant 0 : index
    %get3A_22 = vector.load %arg5[%get3A_20, %get3A_21] : memref<128x128xf32, #tpu.memory_space<vmem>>, vector<128x128xf32>
    %dot_general3A_23 = arith.constant dense<0.000000e+00> : vector<400x128xf32>
    %dot_general3A_24 = tpu.matmul %mul3A_12, %get3A_22, %dot_general3A_23 {dimension_numbers = #tpu.dot_dimension_numbers<[1], [0], [0], [1], [0, 0, 1, 1], [], []>, transpose_lhs_hint = false} : vector<400x128xf32>, vector<128x128xf32>, vector<400x128xf32> -> vector<400x128xf32>
    %add3A_25 = arith.addf %dot_general3A_19, %dot_general3A_24 : vector<400x128xf32>
    %get3A_26 = arith.constant 0 : index
    %get3A_27 = arith.constant 0 : index
    %get3A_28 = vector.load %arg6[%get3A_26, %get3A_27] : memref<1x128xf32, #tpu.memory_space<vmem>>, vector<1x128xf32>
    %add3A_29 = vector.broadcast %get3A_28 : vector<1x128xf32> to vector<400x128xf32>
    %add3A_30 = arith.addf %add3A_25, %add3A_29 : vector<400x128xf32>
    %max3A = arith.constant 0.000000e+00 : f32
    %max3A_31 = vector.broadcast %max3A : f32 to vector<400x128xf32>
    %max3A_32 = arith.maximumf %add3A_30, %max3A_31 : vector<400x128xf32>
    %swap3A = arith.constant 0 : index
    %swap3A_33 = arith.constant 0 : index
    %swap3A_34 = vector.load %arg7[%swap3A, %swap3A_33] : memref<400x128xf32, #tpu.memory_space<vmem>>, vector<400x128xf32>
    tpu.vector_store %arg7[%swap3A, %swap3A_33], %max3A_32 {strides = array<i32>} : memref<400x128xf32, #tpu.memory_space<vmem>>, vector<400x128xf32>,
    return
  }
  func.func @transform_0(%arg0: i32) -> (i32, i32) {
    %c0_i32 = arith.constant 0 : i32
    %c0_i32_0 = arith.constant 0 : i32
    return %arg0, %c0_i32 : i32, i32
  }
  func.func @transform_1(%arg0: i32) -> (i32, i32, i32) {
    %c0_i32 = arith.constant 0 : i32
    %c0_i32_0 = arith.constant 0 : i32
    %c0_i32_1 = arith.constant 0 : i32
    return %c0_i32, %arg0, %c0_i32_0 : i32, i32, i32
  }
  func.func @transform_2(%arg0: i32) -> (i32, i32) {
    %c0_i32 = arith.constant 0 : i32
    %c0_i32_0 = arith.constant 0 : i32
    return %arg0, %c0_i32 : i32, i32
  }
  func.func @transform_3(%arg0: i32) -> (i32, i32) {
    %c0_i32 = arith.constant 0 : i32
    %c0_i32_0 = arith.constant 0 : i32
    %c0_i32_1 = arith.constant 0 : i32
    return %c0_i32, %c0_i32_0 : i32, i32
  }
  func.func @transform_4(%arg0: i32) -> (i32, i32) {
    %c0_i32 = arith.constant 0 : i32
    %c0_i32_0 = arith.constant 0 : i32
    %c0_i32_1 = arith.constant 0 : i32
    return %c0_i32, %c0_i32_0 : i32, i32
  }
  func.func @transform_5(%arg0: i32) -> (i32, i32) {
    %c0_i32 = arith.constant 0 : i32
    %c0_i32_0 = arith.constant 0 : i32
    %c0_i32_1 = arith.constant 0 : i32
    return %c0_i32, %c0_i32_0 : i32, i32
  }
  func.func @transform_6(%arg0: i32) -> (i32, i32) {
    %c0_i32 = arith.constant 0 : i32
    %c0_i32_0 = arith.constant 0 : i32
    return %arg0, %c0_i32 : i32, i32
  }
}

module attributes {stable_mosaic.version = 14 : i64} {
  func.func @body(%arg0: i32, %arg1: memref<400x128xf32, #tpu.memory_space<vmem>>, %arg2: memref<2x400x128xf32, #tpu.memory_space<vmem>>, %arg3: memref<400x1xf32, #tpu.memory_space<vmem>>, %arg4: memref<128x128xf32, #tpu.memory_space<vmem>>, %arg5: memref<128x128xf32, #tpu.memory_space<vmem>>, %arg6: memref<1x128xf32, #tpu.memory_space<vmem>>, %arg7: memref<400x128xf32, #tpu.memory_space<vmem>>) attributes {dimension_semantics = [#tpu.dimension_semantics<arbitrary>], iteration_bounds = array<i64: 25>, scalar_prefetch = 0 : i64, scratch_operands = 0 : i64, tpu.core_type = #tpu.core_type<tc>, window_params = [{transform_indices = @transform_0, window_bounds = array<i64: 400, 128>}, {transform_indices = @transform_1, window_bounds = array<i64: 2, 400, 128>}, {transform_indices = @transform_2, window_bounds = array<i64: 400, 1>}, {pipeline_mode = #tpu.pipeline_mode<synchronous>, transform_indices = @transform_3, window_bounds = array<i64: 128, 128>}, {pipeline_mode = #tpu.pipeline_mode<synchronous>, transform_indices = @transform_4, window_bounds = array<i64: 128, 128>}, {pipeline_mode = #tpu.pipeline_mode<synchronous>, transform_indices = @transform_5, window_bounds = array<i64: 1, 128>}, {transform_indices = @transform_6, window_bounds = array<i64: 400, 128>}]} {
    %get3A = arith.constant 0 : index
    %get3A_0 = arith.constant 0 : index
    %get3A_1 = arith.constant 0 : index
    %get3A_2 = vector.load %arg2[%get3A, %get3A_0, %get3A_1] : memref<2x400x128xf32, #tpu.memory_space<vmem>>, vector<1x400x128xf32>
    %get3A_3 = vector.shape_cast %get3A_2 : vector<1x400x128xf32> to vector<400x128xf32>
    %get3A_4 = arith.constant 1 : index
    %get3A_5 = arith.constant 0 : index
    %get3A_6 = arith.constant 0 : index
    %get3A_7 = vector.load %arg2[%get3A_4, %get3A_5, %get3A_6] : memref<2x400x128xf32, #tpu.memory_space<vmem>>, vector<1x400x128xf32>
    %get3A_8 = vector.shape_cast %get3A_7 : vector<1x400x128xf32> to vector<400x128xf32>
    %add3A = arith.addf %get3A_3, %get3A_8 : vector<400x128xf32>
    %get3A_9 = arith.constant 0 : index
    %get3A_10 = arith.constant 0 : index
    %get3A_11 = vector.load %arg3[%get3A_9, %get3A_10] : memref<400x1xf32, #tpu.memory_space<vmem>>, vector<400x1xf32>
    %mul3A = vector.broadcast %get3A_11 : vector<400x1xf32> to vector<400x128xf32>
    %mul3A_12 = arith.mulf %add3A, %mul3A : vector<400x128xf32>
    %get3A_13 = arith.constant 0 : index
    %get3A_14 = arith.constant 0 : index
    %get3A_15 = vector.load %arg1[%get3A_13, %get3A_14] : memref<400x128xf32, #tpu.memory_space<vmem>>, vector<400x128xf32>
    %get3A_16 = arith.constant 0 : index
    %get3A_17 = arith.constant 0 : index
    %get3A_18 = vector.load %arg4[%get3A_16, %get3A_17] : memref<128x128xf32, #tpu.memory_space<vmem>>, vector<128x128xf32>
    %dot_general3A = arith.constant dense<0.000000e+00> : vector<400x128xf32>
    %dot_general3A_19 = tpu.matmul %get3A_15, %get3A_18, %dot_general3A {dimension_numbers = #tpu.dot_dimension_numbers<[1], [0], [0], [1], [0, 0, 1, 1], [], []>, transpose_lhs_hint = false} : vector<400x128xf32>, vector<128x128xf32>, vector<400x128xf32> -> vector<400x128xf32>
    %get3A_20 = arith.constant 0 : index
    %get3A_21 = arith.constant 0 : index
    %get3A_22 = vector.load %arg5[%get3A_20, %get3A_21] : memref<128x128xf32, #tpu.memory_space<vmem>>, vector<128x128xf32>
    %dot_general3A_23 = arith.constant dense<0.000000e+00> : vector<400x128xf32>
    %dot_general3A_24 = tpu.matmul %mul3A_12, %get3A_22, %dot_general3A_23 {dimension_numbers = #tpu.dot_dimension_numbers<[1], [0], [0], [1], [0, 0, 1, 1], [], []>, transpose_lhs_hint = false} : vector<400x128xf32>, vector<128x128xf32>, vector<400x128xf32> -> vector<400x128xf32>
    %add3A_25 = arith.addf %dot_general3A_19, %dot_general3A_24 : vector<400x128xf32>
    %get3A_26 = arith.constant 0 : index
    %get3A_27 = arith.constant 0 : index
    %get3A_28 = vector.load %arg6[%get3A_26, %get3A_27] : memref<1x128xf32, #tpu.memory_space<vmem>>, vector<1x128xf32>
    %add3A_29 = vector.broadcast %get3A_28 : vector<1x128xf32> to vector<400x128xf32>
    %add3A_30 = arith.addf %add3A_25, %add3A_29 : vector<400x128xf32>
    %swap3A = arith.constant 0 : index
    %swap3A_31 = arith.constant 0 : index
    %swap3A_32 = vector.load %arg7[%swap3A, %swap3A_31] : memref<400x128xf32, #tpu.memory_space<vmem>>, vector<400x128xf32>
    tpu.vector_store %arg7[%swap3A, %swap3A_31], %add3A_30 {strides = array<i32>} : memref<400x128xf32, #tpu.memory_space<vmem>>, vector<400x128xf32>,
    return
  }
  func.func @transform_0(%arg0: i32) -> (i32, i32) {
    %c0_i32 = arith.constant 0 : i32
    %c0_i32_0 = arith.constant 0 : i32
    return %arg0, %c0_i32 : i32, i32
  }
  func.func @transform_1(%arg0: i32) -> (i32, i32, i32) {
    %c0_i32 = arith.constant 0 : i32
    %c0_i32_0 = arith.constant 0 : i32
    %c0_i32_1 = arith.constant 0 : i32
    return %c0_i32, %arg0, %c0_i32_0 : i32, i32, i32
  }
  func.func @transform_2(%arg0: i32) -> (i32, i32) {
    %c0_i32 = arith.constant 0 : i32
    %c0_i32_0 = arith.constant 0 : i32
    return %arg0, %c0_i32 : i32, i32
  }
  func.func @transform_3(%arg0: i32) -> (i32, i32) {
    %c0_i32 = arith.constant 0 : i32
    %c0_i32_0 = arith.constant 0 : i32
    %c0_i32_1 = arith.constant 0 : i32
    return %c0_i32, %c0_i32_0 : i32, i32
  }
  func.func @transform_4(%arg0: i32) -> (i32, i32) {
    %c0_i32 = arith.constant 0 : i32
    %c0_i32_0 = arith.constant 0 : i32
    %c0_i32_1 = arith.constant 0 : i32
    return %c0_i32, %c0_i32_0 : i32, i32
  }
  func.func @transform_5(%arg0: i32) -> (i32, i32) {
    %c0_i32 = arith.constant 0 : i32
    %c0_i32_0 = arith.constant 0 : i32
    %c0_i32_1 = arith.constant 0 : i32
    return %c0_i32, %c0_i32_0 : i32, i32
  }
  func.func @transform_6(%arg0: i32) -> (i32, i32) {
    %c0_i32 = arith.constant 0 : i32
    %c0_i32_0 = arith.constant 0 : i32
    return %arg0, %c0_i32 : i32, i32
  }
}

</mosaic_0001>

<sc_bundles>
// kernel: kernel.12.cloned.1.call-start
scs
__scs_entry_jumppad:
0x0: {  	(pc) =	sbr.rel $0x88, $3  }
0x1: {  	(tag) =	ssettag $0x0;
	lr =	simm.s32 $0x1  }
0x2: {  	[smem:$0x3F9C] =	sst lr;
	_ =	strace $0xD0000000  }
0x3: {  	_ = 	snop  }
0x4: {  	_ = 	snop  }
0x5: {  	_ = 	snop  }
0x6: {  	_ = 	snop  }
0x7: {  	_ = 	snop  }
__scs_overlays_trampoline_lowered:
0x8: {  	[smem:$0x3FAB] =	sst s0  }
0x9: {  	[smem:$0x3FAC] =	sst s1  }
0xa: {  	[smem:$0x3FAD] =	sst s2  }
0xb: {  	[smem:$0x3FAE] =	sst s3  }
0xc: {  	[smem:$0x3FAF] =	sst s4  }
0xd: {  	[smem:$0x3FB0] =	sst s5  }
0xe: {  	[smem:$0x3FB1] =	sst s6  }
0xf: {  	[smem:$0x3FB2] =	sst s7  }
0x10: {  	[smem:$0x3FB3] =	sst s8  }
0x11: {  	[smem:$0x3FB4] =	sst s9;
	s0 =	simm.s32 @!p0 $0x0  }
0x12: {  	s1 =	sld [smem:$0x3F9A];
	s0 =	simm.s32 @p0 $0x1  }
0x13: {  	[smem:$0x3FB5] =	sst s0;
	s0 =	simm.s32 @!p1 $0x0  }
0x14: {  	s2 =	sld [smem:$0x3F99];
	s0 =	simm.s32 @p1 $0x1  }
0x15: {  	[smem:$0x3FB6] =	sst s0;
	s0 =	simm.s32 @!p2 $0x0  }
0x16: {  	s3 =	sld [smem:$0x3FDB];
	s0 =	simm.s32 @p2 $0x1  }
0x17: {  	s4 =	simm.s32 $0x1BF5;
	[smem:$0x3FB8] =	sst s0  }
0x18: {  	s0 =	sld [smem:$0x3F9B];
	_ =	swait.ge [sflag:s4], $0x0  }
0x19: {  	s7 =	sld [smem:$0x3F9C]  }
0x1a: {  	s8 =	sadd.s32 $0xFFFFE003, lr  }
0x1b: {  	s9 =	sadd.s32 $0xFFFFFEF7, lr;
	s5 =	simm.s32 $0xFFFFFFFF;
	p2 =	slt.u32 s8, $0xFFFFF086  }
0x1c: {  	p1 =	slt.u32 s9, $0xF7A;
	s5 =	simm.s32 @!p2 $0x0  }
0x1d: {  	s5 =	simm.s32 @p1 $0x1;
	p0 =	seq.s32 s7, s2  }
0x1e: {  	s7 =	smul.u32 @!p0 $0xF7A, s2;
	p2 =	seq.s32 @!p0 s5, $0x0  }
0x1f: {  	s9 =	smul.u32 $0xF7A, s1;
	s8 =	simm.s32 @!p0 $0x1BF5;
	p2 =	por !p2, p0  }
0x20: {  	[sflag:s8] =	ssyncset.s32 @!p0 $0xFFFFF086;
	s6 =	sadd.s32 @!p0 s3, s7;
	s7 =	simm.s32 @!p0 $0x108  }
0x21: {  	s3 =	sadd.s32 s3, s9;
	s6 =	sadd.s32 @!p0 $0x88, s6;
	s7 =	simm.s32 @p2 $0x1082  }
0x22: {  	[simem:s7], [sflag:s8] =	dma.local @!p0 [hbm:s6], $0xF7A  }
0x23: {  	s9 =	sor.u32 $0xD0000000, s2;
	s6 =	simm.s32 $0x108;
	_ =	swait.ge @!p0 [sflag:s8], $0x0  }
0x24: {  	s3 =	sadd.s32 $0x88, s3;
	s6 =	simm.s32 @!p1 $0x1082;
	[sflag:s4] =	ssyncset.s32 $0xFFFFF086  }
0x25: {  	[simem:s6], [sflag:s4] =	dma.local [hbm:s3], $0xF7A  }
0x26: {  	[smem:$0x3F9C] =	sst s1;
	(tag) =	ssettag s2;
	_ =	strace s9  }
0x27: {  	s1 =	sld [smem:$0x3FAC]  }
0x28: {  	s2 =	sld [smem:$0x3FAD]  }
0x29: {  	s4 =	sld [smem:$0x3FAF]  }
0x2a: {  	p0 =	seq.s32 s5, $0x0;
	s5 =	sld [smem:$0x3FB0]  }
0x2b: {  	s6 =	sld [smem:$0x3FB1]  }
0x2c: {  	s7 =	sld [smem:$0x3FB2]  }
0x2d: {  	s3 =	simm.s32 $0x108;
	s8 =	sld [smem:$0x3FB3]  }
0x2e: {  	s3 =	simm.s32 @!p0 $0x1082;
	s9 =	sld [smem:$0x3FB4]  }
0x2f: {  	lr =	sadd.s32 s0, s3;
	s0 =	sld [smem:$0x3FAB]  }
0x30: {  	s3 =	sld [smem:$0x3FAE]  }
0x31: {  	[smem:$0x3FB7] =	sst s10  }
0x32: {  	s10 =	sld [smem:$0x3FB5];
	_ =	sdelay $0x3  }
0x33: {  	p0 =	seq.s32 s10, $0x1;
	s10 =	sld [smem:$0x3FB7];
	_ =	sdelay $0x3  }
0x34: {  	[smem:$0x3FB7] =	sst s10  }
0x35: {  	s10 =	sld [smem:$0x3FB6];
	_ =	sdelay $0x3  }
0x36: {  	p1 =	seq.s32 s10, $0x1;
	s10 =	sld [smem:$0x3FB7];
	_ =	sdelay $0x3  }
0x37: {  	[smem:$0x3FB7] =	sst s10  }
0x38: {  	s10 =	sld [smem:$0x3FB8]  }
0x39: {  	_ = 	snop;
	(pc) =	sbr.ind lr, $3  }
0x3a: {  	_ = 	snop  }
0x3b: {  	_ = 	snop  }
0x3c: {  	p2 =	seq.s32 s10, $0x1;
	s10 =	sld [smem:$0x3FB7]  }
0x3d: {  	_ =	shalt  }
0x3e: {  	_ =	shalt  }
0x3f: {  	_ =	shalt  }
0x40: {  	_ =	shalt  }
0x41: {  	_ =	shalt  }
0x42: {  	_ =	shalt  }
0x43: {  	_ =	shalt  }
0x44: {  	_ =	shalt  }
0x45: {  	_ =	shalt  }
0x46: {  	_ =	shalt  }
0x47: {  	_ =	shalt  }
0x48: {  	_ =	shalt  }
0x49: {  	_ =	shalt  }
0x4a: {  	_ =	shalt  }
0x4b: {  	_ =	shalt  }
0x4c: {  	_ =	shalt  }
0x4d: {  	_ =	shalt  }
0x4e: {  	_ =	shalt  }
0x4f: {  	_ =	shalt  }
0x50: {  	_ =	shalt  }
0x51: {  	_ =	shalt  }
0x52: {  	_ =	shalt  }
0x53: {  	_ =	shalt  }
0x54: {  	_ =	shalt  }
0x55: {  	_ =	shalt  }
0x56: {  	_ =	shalt  }
0x57: {  	_ =	shalt  }
0x58: {  	_ =	shalt  }
0x59: {  	_ =	shalt  }
0x5a: {  	_ =	shalt  }
0x5b: {  	_ =	shalt  }
0x5c: {  	_ =	shalt  }
0x5d: {  	_ =	shalt  }
0x5e: {  	_ =	shalt  }
0x5f: {  	_ =	shalt  }
0x60: {  	_ =	shalt  }
0x61: {  	_ =	shalt  }
0x62: {  	_ =	shalt  }
0x63: {  	_ =	shalt  }
0x64: {  	_ =	shalt  }
0x65: {  	_ =	shalt  }
0x66: {  	_ =	shalt  }
0x67: {  	_ =	shalt  }
0x68: {  	_ =	shalt  }
0x69: {  	_ =	shalt  }
0x6a: {  	_ =	shalt  }
0x6b: {  	_ =	shalt  }
0x6c: {  	_ =	shalt  }
0x6d: {  	_ =	shalt  }
0x6e: {  	_ =	shalt  }
0x6f: {  	_ =	shalt  }
0x70: {  	_ =	shalt  }
0x71: {  	_ =	shalt  }
0x72: {  	_ =	shalt  }
0x73: {  	_ =	shalt  }
0x74: {  	_ =	shalt  }
0x75: {  	_ =	shalt  }
0x76: {  	_ =	shalt  }
0x77: {  	_ =	shalt  }
0x78: {  	_ =	shalt  }
0x79: {  	_ =	shalt  }
0x7a: {  	_ =	shalt  }
0x7b: {  	_ =	shalt  }
0x7c: {  	_ =	shalt  }
0x7d: {  	_ =	shalt  }
0x7e: {  	_ =	shalt  }
0x7f: {  	_ =	shalt  }
0x80: {  	_ =	shalt  }
0x81: {  	_ =	shalt  }
0x82: {  	_ =	shalt  }
0x83: {  	_ =	shalt  }
0x84: {  	_ =	shalt  }
0x85: {  	_ =	shalt  }
0x86: {  	_ =	shalt  }
0x87: {  	_ =	shalt  }
.Lfunc_end0:
.L_simem_size_0:
called_computation.1_lowered:
.L_overlay_start_0:
0x88: {  	s2 =	sld [smem:$0x3FD9]  }
0x89: {  	s3 =	sld [smem:$0x3FFE];
	_ =	sdelay $0x1  }
0x8a: {  	s1 =	srdreg.scid  }
0x8b: {  	s0 =	sand.u32 $0x1, s1  }
0x8c: {  	s17 =	sshll.u32 s0, $0xA;
	s2 =	sadd.s32 s3, s2  }
0x8d: {  	s2 =	sadd.s32 s2, s17  }
0x8e: {  	[smem:$0x3FC3] =	sst s2  }
0x8f: {  	_ = 	snop  }
0x90: {  	s18 =	sld [smem:$0x3FC9];
	(tm) =	ssettm $0x1  }
0x91: {  	s19 =	sld [smem:$0x3FFB];
	_ =	sdelay $0x3  }
0x92: {  	_ =	strace s19  }
0x93: {  	s2 =	sld [smem:$0x3FFC];
	_ =	sdelay $0x3  }
0x94: {  	_ =	strace s2  }
0x95: {  	s2 =	sld [smem:$0x3FFD];
	_ =	sdelay $0x3  }
0x96: {  	_ =	strace s2  }
0x97: {  	_ =	strace $0x8FFFFFFF  }
0x98: {  	s20 =	sld [smem:$0x3FDB];
	_ =	sdelay $0x1  }
0x99: {  	s4 =	simm.s32 $_scs_section_size  }
0x9a: {  	s5 =	simm.s32 $_size__tile_overlayer_lowered;
	s6 =	simm.s32 $_tile_overlayer_lowered  }
0x9b: {  	s7 =	simm.s32 $0x1BFF;
	s21 =	sshll.u32 s6, $0x1;
	s4 =	sadd.s32 s4, s20  }
0x9c: {  	s22 =	simm.s32 $0x0;
	s5 =	sshll.u32 s5, $0x1;
	s6 =	sadd.s32 s21, s4  }
0x9d: {  	[timem:s22], [sflag:s7] =	dma.local [hbm:s6], s5  }
0x9e: {  	_ =	swait.ge [sflag:s7], s5  }
0x9f: {  	s5 =	ssub.s32 $0x0, s5;
	[sflag:s7] =	ssyncset.done $0x0  }
0xa0: {  	[sflag:s7] =	ssyncadd.s32 s5;
	_ =	sdelay $0x1  }
0xa1: {  	s23 =	simm.s32 $0x1B8B  }
0xa2: {  	_ =	swait.ge [sflag:s23], $0x1  }
0xa3: {  	[sflag:s23] =	ssyncset.done $0x0  }
0xa4: {  	[sflag:s23] =	ssyncadd.s32 $0xFFFFFFFF  }
0xa5: {  	s5 =	sld [smem:$0x0]  }
0xa6: {  	s6 =	sand.u32 $0xFFFFFFFE, s1  }
0xa7: {  	p0 =	sne.s32 s1, s6  }
0xa8: {  	s6 =	sshll.u32 @p0 s6, $0xE  }
0xa9: {  	s6 =	sadd.s32 @p0 $0x11B8D, s6;
	s7 =	sshll.u32 @p0 s5, $0x11  }
0xaa: {  	s6 =	sor.u32 @p0 s7, s6  }
0xab: {  	[sflag:s6] =	ssyncadd.remote.s32 @p0 $0x1;
	_ =	sdelay $0x1  }
0xac: {  	s6 =	simm.s32 @p0 $0x1B8D  }
0xad: {  	_ =	swait.eq @p0 [sflag:s6], $0x1  }
0xae: {  	[sflag:s6] =	ssyncadd.s32 @p0 $0xFFFFFFFF  }
0xaf: {  	s7 =	sshll.u32 @!p0 s1, $0xE  }
0xb0: {  	s7 =	sor.u32 @!p0 $0x4000, s7;
	s6 =	simm.s32 @!p0 $0x1B8D  }
0xb1: {  	s5 =	sshll.u32 @!p0 s5, $0x11;
	s7 =	sadd.s32 @!p0 $0x11B8D, s7;
	_ =	swait.eq @!p0 [sflag:s6], $0x1  }
0xb2: {  	s5 =	sor.u32 @!p0 s5, s7;
	[sflag:s6] =	ssyncadd.s32 @!p0 $0xFFFFFFFF  }
0xb3: {  	s25 =	simm.s32 $0x1B8E;
	s24 =	sld [smem:$0x3FFE];
	[sflag:s5] =	ssyncadd.remote.s32 @!p0 $0x1  }
0xb4: {  	s26 =	simm.s32 $execute0_lowered;
	[smem:$0x3FD2] =	sst s25  }
0xb5: {  	s6 =	sshll.u32 s26, $0x1;
	_ =	strace $0x80000049;
	[dreg:$0x1] =	wrdreg $0xFFFFFFFF  }
0xb6: {  	s28 =	simm.s32 $_size_execute0_lowered;
	s4 =	sadd.s32 s4, s6;
	[dreg:$0x0] =	wrdreg $0x0  }
0xb7: {  	s6 =	sshll.u32 s28, $0x1;
	[dreg:$0x2] =	wrdreg s4  }
0xb8: {  	[dreg:$0x3] =	wrdreg s6  }
0xb9: {  	[dreg:$0x4] =	wrdreg $0xC0  }
0xba: {  	_ =	task [dreg:s22], $0x5FFFF  }
0xbb: {  	[dreg:$0x1] =	wrdreg $0xFFFFFFFF  }
0xbc: {  	[dreg:$0x0] =	wrdreg $0x60  }
0xbd: {  	[dreg:$0x2] =	wrdreg s18  }
0xbe: {  	[dreg:$0x3] =	wrdreg s24  }
0xbf: {  	[dreg:$0x4] =	wrdreg $0x41000  }
0xc0: {  	[dreg:$0x5] =	wrdreg $0xA  }
0xc1: {  	_ =	task.clear_ibuf [dreg:s22], $0x6FFFF;
	_ =	strace $0x90000049  }
0xc2: {  	s29 =	simm.s32 $0xA;
	_ =	strace $0x8000004B  }
0xc3: {  	_ =	swait.ge [sflag:s29], $0x1  }
0xc4: {  	[sflag:s29] =	ssyncadd.s32 $0xFFFFFFFF  }
0xc5: {  	_ =	strace $0x9000004B  }
0xc6: {  	_ =	sfence  }
0xc7: {  	s30 =	sld [smem:$0x0];
	_ =	sdelay $0x2  }
0xc8: {  	s31 =	sshll.u32 s1, $0xD;
	s1 =	sshrl.u32 s1, $0x2  }
0xc9: {  	s4 =	sand.u32 $0x4000, s31;
	s1 =	sadd.s32 s1, s30  }
0xca: {  	s0 =	sor.u32 s4, s0;
	s1 =	sshll.u32 s1, $0x11  }
0xcb: {  	s0 =	sor.u32 s1, s0  }
0xcc: {  	s0 =	sadd.s32 $0x8F2B, s0  }
0xcd: {  	[sflag:s0] =	ssyncadd.remote.s32 $0x1  }
0xce: {  	_ =	sfence.sel $0xFFFF  }
0xcf: {  	[dreg:$0x0] =	wrdreg $0xFFFFFFFF;
	(pc) =	sbr.abs _section_cstart, $3  }
0xd0: {  	[dreg:$0x1] =	wrdreg $0xFFFFFFFF  }
0xd1: {  	_ =	task.clear_ibuf [dreg:s22], $0x2FFFF;
	_ =	strace $0x9FFFFFFF  }
0xd2: {  	(tm) =	ssettm $0x7FFFFFFF  }
0xd3: {  	_ =	shalt  }
tec
execute0_lowered:
.L_overlay_start_1:
0x0: {  	(tag) =	ssettag $0x1  }
0x1: {  	s2 =	rddreg [dreg:$0x0]  }
0x2: {  	s6 =	rddreg [dreg:$0x1]  }
0x3: {  	s3 =	rddreg [dreg:$0x2]  }
0x4: {  	s0 =	rddreg [dreg:$0x3];
	s1 =	stileid.u32;
	s4 =	simm.s32 $0x0  }
0x5: {  	s5 =	srdreg.scid;
	s13 =	simm.s32 $0x80;
	s7 =	smul.u32 $0x60, s1  }
0x6: {  	s14 =	simm.s32 $0x100;
	s15 =	simm.s32 $0x1;
	s8 =	smul.u32 $0x3D, s1  }
0x7: {  	s16 =	simm.s32 $0x0;
	[smem:$0x7FF] =	sst s4;
	s25 =	smul.u32 $0x14000, s1  }
0x8: {  	s5 =	sand.u32 $0x1, s5;
	s11 =	smul.u32 $0x50000, s1;
	s31 =	sshll.u32 s1, $0x6  }
0x9: {  	p0 =	seq.s32 s5, $0x0;
	s9 =	smul.u32 $0x140000, s5;
	_ =	strace $0x8000004A  }
0xa: {  	s28 =	ssub.s32 $0x2, s5;
	s5 =	sadd.s32 $0x15800, s6;
	s7 =	sadd.s32 $0x3D0, s7  }
0xb: {  	s29 =	sshrl.u32 s28, $0x1;
	s30 =	sshrl.u32 s11, $0x2;
	s7 =	smov.u32 @p0 s8  }
0xc: {  	s26 =	sadd.s32 s25, s9;
	s9 =	ssub.s32 s28, s29;
	s7 =	sshll.u32 s7, $0x5  }
0xd: {  	s11 =	sadd.s32 s30, s3;
	s10 =	sadd.s32 s7, s6;
	s7 =	sshrl.u32 s26, $0x3  }
0xe: {  	s9 =	smax.u32 s9, $0x1;
	s11 =	sshrl.u32 s11, $0x3;
	s12 =	sadd.s32 s7, s6  }
0xf: {  	s6 =	simm.s32 $0x3D;
	s7 =	sor.u32 $0x1C02, s31;
	s10 =	sadd.s32 $0x1E00, s10  }
0x10: {  	s6 =	simm.s32 @!p0 $0x60;
	s8 =	sadd.s32 $0x68000, s12;
	s12 =	simm.s32 $0x2  }
.LBB2_1:
0x11: {  	[spmem:s11], [sflag:s7] =	dma.local [hbm:s5], $0x2800  }
0x12: {  	_ =	swait.ge [sflag:s12], $0x2800  }
0x13: {  	[sflag:s12] =	ssyncset.done $0x0  }
0x14: {  	[sflag:s12] =	ssyncadd.s32 $0xFFFFD800  }
0x15: {  	[bflag:$0x0] =	sbarrier.arrive $0xFFFF  }
0x16: {  	[tilespmem:s4], [sflag:$0x2] =	stream.linear.gather [hbm4b:s10+s4], $0x80, $0x38;
	[tilespmem:$0x18100] =	vst v63  }
0x17: {  	_ =	swait.ge [sflag:s12], $0x80  }
0x18: {  	[sflag:s12] =	ssyncset.done $0x0  }
0x19: {  	s17 =	sadd.s32 $0x10, s10;
	[sflag:s12] =	ssyncadd.s32 $0xFFFFFF80  }
0x1a: {  	[tilespmem:s13], [sflag:$0x2] =	stream.linear.gather [hbm4b:s17+s4], $0x80, $0x38;
	[tilespmem:$0x18100] =	vst v63  }
0x1b: {  	_ =	swait.ge [sflag:s12], $0x80  }
0x1c: {  	[sflag:s12] =	ssyncset.done $0x0  }
0x1d: {  	[sflag:s12] =	ssyncadd.s32 $0xFFFFFF80  }
0x1e: {  	[tilespmem:s14], [sflag:$0x1] =	stream.indirect.gather [hbm4b:s2+s13], $0x80, s4, s13, $0xb8;
	[tilespmem:$0x18100] =	vst v63  }
0x1f: {  	p0 =	sne.s32 s6, $0x1;
	_ =	swait.ge [sflag:s15], $0x4000  }
.Ltmp0:
0x20: {  	[sflag:s15] =	ssyncset.done $0x0;
	(pc) =	sbr.rel @!p0 .LBB2_3-.Ltmp0, $4  }
0x21: {  	[sflag:s15] =	ssyncadd.s32 $0xFFFFC000  }
0x22: {  	[spmem:s3] =	stream.indirect.scatter.add.f32 [tilespmem:s14], [sflag:$0x2], $0x80, s13, s13, $0xb8;
	[tilespmem:$0x18100] =	vst v63  }
0x23: {  	_ =	swait.ge [sflag:s12], $0x4000  }
0x24: {  	s18 =	smov.u32 s10;
	s17 =	sadd.s32 $0xFFFFFFFF, s6;
	[sflag:s12] =	ssyncset.done $0x0  }
.LBB2_2:
0x25: {  	p0 =	sne.s32 s17, $0x1;
	[sflag:s12] =	ssyncadd.s32 $0xFFFFC000;
	s18 =	sadd.s32 $0x20, s18  }
0x26: {  	[tilespmem:s4], [sflag:$0x2] =	stream.linear.gather [hbm4b:s18+s4], $0x80, $0x38;
	[tilespmem:$0x18100] =	vst v63  }
0x27: {  	s17 =	sadd.s32 $0xFFFFFFFF, s17;
	_ =	swait.ge [sflag:s12], $0x80  }
0x28: {  	[sflag:s12] =	ssyncset.done $0x0  }
0x29: {  	s19 =	sadd.s32 $0x10, s18;
	[sflag:s12] =	ssyncadd.s32 $0xFFFFFF80  }
0x2a: {  	[tilespmem:s13], [sflag:$0x2] =	stream.linear.gather [hbm4b:s19+s4], $0x80, $0x38;
	[tilespmem:$0x18100] =	vst v63  }
0x2b: {  	_ =	swait.ge [sflag:s12], $0x80  }
0x2c: {  	[sflag:s12] =	ssyncset.done $0x0  }
0x2d: {  	[sflag:s12] =	ssyncadd.s32 $0xFFFFFF80  }
0x2e: {  	[tilespmem:s14], [sflag:$0x1] =	stream.indirect.gather [hbm4b:s2+s13], $0x80, s4, s13, $0xb8;
	[tilespmem:$0x18100] =	vst v63  }
0x2f: {  	_ =	swait.ge [sflag:s15], $0x4000  }
.Ltmp1:
0x30: {  	[sflag:s15] =	ssyncset.done $0x0;
	(pc) =	sbr.rel @p0 .LBB2_2-.Ltmp1, $4  }
0x31: {  	[sflag:s15] =	ssyncadd.s32 $0xFFFFC000  }
0x32: {  	[spmem:s3] =	stream.indirect.scatter.add.f32 [tilespmem:s14], [sflag:$0x2], $0x80, s13, s13, $0xb8;
	[tilespmem:$0x18100] =	vst v63  }
0x33: {  	_ =	swait.ge [sflag:s12], $0x4000  }
0x34: {  	[sflag:s12] =	ssyncset.done $0x0  }
.LBB2_3:
0x35: {  	s16 =	sadd.s32 $0x1, s16  }
0x36: {  	[sflag:s12] =	ssyncadd.s32 $0xFFFFC000;
	p0 =	sne.s32 s16, s9  }
.Ltmp2:
0x37: {  	[bflag:$0x0] =	sbarrier.arrive $0xFFFF;
	(pc) =	sbr.rel @p0 .LBB2_1-.Ltmp2, $4  }
0x38: {  	[hbm:s8], [sflag:s7] =	dma.local [spmem:s11], $0x2800  }
0x39: {  	_ =	swait.ge [sflag:s12], $0x2800  }
0x3a: {  	[sflag:s12] =	ssyncset.done $0x0  }
0x3b: {  	[sflag:s12] =	ssyncadd.s32 $0xFFFFD800  }
0x3c: {  	_ =	sfence.sel $0x180000  }
0x3d: {  	[bflag:$0x0] =	sbarrier.arrive $0xFFFF  }
0x3e: {  	p0 =	sne.s32 s1, $0x0;
	_ =	strace $0x9000004A  }
0x3f: {  	s0 =	sadd.s32 @!p0 $0x100000, s0;
	[bflag:$0x2] =	sbarrier.arrive $0xFFFF  }
0x40: {  	[sflag:s0] =	ssyncadd.tile.s32 @!p0 $0x1;
	_ =	shalt  }
.Lfunc_end2:
_tile_overlayer_lowered:
.L_overlay_start_2:
0x41: {  	(tag) =	ssettag $0x2  }
0x42: {  	s0 =	rddreg [dreg:$0x0];
	s2 =	stileid.u32  }
0x43: {  	s1 =	rddreg [dreg:$0x1];
	p0 =	sne.s32 s2, $0x0  }
0x44: {  	s3 =	rddreg [dreg:$0x2];
	[bflag:$0x3] =	sbarrier.arrive $0xFFFF;
	s2 =	simm.s32 @!p0 $0x1C02  }
0x45: {  	[timem:s3], [sflag:s2] =	dma.local @!p0 [hbm:s0], s1  }
0x46: {  	s0 =	simm.s32 @!p0 $0x2  }
0x47: {  	_ =	swait.ge @!p0 [sflag:s0], s1  }
0x48: {  	s1 =	ssub.s32 @!p0 $0x0, s1;
	[sflag:s0] =	ssyncset.done @!p0 $0x0  }
0x49: {  	[sflag:s0] =	ssyncadd.s32 @!p0 s1  }
0x4a: {  	[bflag:$0x3] =	sbarrier.arrive $0xFFFF  }
0x4b: {  	_ =	shalt  }

// kernel: kernel.15.cloned.1.call-start
scs
__scs_entry_jumppad:
0x0: {  	(pc) =	sbr.rel $0x88, $3  }
0x1: {  	(tag) =	ssettag $0x0;
	lr =	simm.s32 $0x1  }
0x2: {  	[smem:$0x3F9C] =	sst lr;
	_ =	strace $0xD0000000  }
0x3: {  	_ = 	snop  }
0x4: {  	_ = 	snop  }
0x5: {  	_ = 	snop  }
0x6: {  	_ = 	snop  }
0x7: {  	_ = 	snop  }
__scs_overlays_trampoline_lowered:
0x8: {  	[smem:$0x3FAB] =	sst s0  }
0x9: {  	[smem:$0x3FAC] =	sst s1  }
0xa: {  	[smem:$0x3FAD] =	sst s2  }
0xb: {  	[smem:$0x3FAE] =	sst s3  }
0xc: {  	[smem:$0x3FAF] =	sst s4  }
0xd: {  	[smem:$0x3FB0] =	sst s5  }
0xe: {  	[smem:$0x3FB1] =	sst s6  }
0xf: {  	[smem:$0x3FB2] =	sst s7  }
0x10: {  	[smem:$0x3FB3] =	sst s8  }
0x11: {  	[smem:$0x3FB4] =	sst s9;
	s0 =	simm.s32 @!p0 $0x0  }
0x12: {  	s1 =	sld [smem:$0x3F9A];
	s0 =	simm.s32 @p0 $0x1  }
0x13: {  	[smem:$0x3FB5] =	sst s0;
	s0 =	simm.s32 @!p1 $0x0  }
0x14: {  	s2 =	sld [smem:$0x3F99];
	s0 =	simm.s32 @p1 $0x1  }
0x15: {  	[smem:$0x3FB6] =	sst s0;
	s0 =	simm.s32 @!p2 $0x0  }
0x16: {  	s3 =	sld [smem:$0x3FDB];
	s0 =	simm.s32 @p2 $0x1  }
0x17: {  	s4 =	simm.s32 $0x1BF5;
	[smem:$0x3FB8] =	sst s0  }
0x18: {  	s0 =	sld [smem:$0x3F9B];
	_ =	swait.ge [sflag:s4], $0x0  }
0x19: {  	s7 =	sld [smem:$0x3F9C]  }
0x1a: {  	s8 =	sadd.s32 $0xFFFFE003, lr  }
0x1b: {  	s9 =	sadd.s32 $0xFFFFFEF7, lr;
	s5 =	simm.s32 $0xFFFFFFFF;
	p2 =	slt.u32 s8, $0xFFFFF086  }
0x1c: {  	p1 =	slt.u32 s9, $0xF7A;
	s5 =	simm.s32 @!p2 $0x0  }
0x1d: {  	s5 =	simm.s32 @p1 $0x1;
	p0 =	seq.s32 s7, s2  }
0x1e: {  	s7 =	smul.u32 @!p0 $0xF7A, s2;
	p2 =	seq.s32 @!p0 s5, $0x0  }
0x1f: {  	s9 =	smul.u32 $0xF7A, s1;
	s8 =	simm.s32 @!p0 $0x1BF5;
	p2 =	por !p2, p0  }
0x20: {  	[sflag:s8] =	ssyncset.s32 @!p0 $0xFFFFF086;
	s6 =	sadd.s32 @!p0 s3, s7;
	s7 =	simm.s32 @!p0 $0x108  }
0x21: {  	s3 =	sadd.s32 s3, s9;
	s6 =	sadd.s32 @!p0 $0x88, s6;
	s7 =	simm.s32 @p2 $0x1082  }
0x22: {  	[simem:s7], [sflag:s8] =	dma.local @!p0 [hbm:s6], $0xF7A  }
0x23: {  	s9 =	sor.u32 $0xD0000000, s2;
	s6 =	simm.s32 $0x108;
	_ =	swait.ge @!p0 [sflag:s8], $0x0  }
0x24: {  	s3 =	sadd.s32 $0x88, s3;
	s6 =	simm.s32 @!p1 $0x1082;
	[sflag:s4] =	ssyncset.s32 $0xFFFFF086  }
0x25: {  	[simem:s6], [sflag:s4] =	dma.local [hbm:s3], $0xF7A  }
0x26: {  	[smem:$0x3F9C] =	sst s1;
	(tag) =	ssettag s2;
	_ =	strace s9  }
0x27: {  	s1 =	sld [smem:$0x3FAC]  }
0x28: {  	s2 =	sld [smem:$0x3FAD]  }
0x29: {  	s4 =	sld [smem:$0x3FAF]  }
0x2a: {  	p0 =	seq.s32 s5, $0x0;
	s5 =	sld [smem:$0x3FB0]  }
0x2b: {  	s6 =	sld [smem:$0x3FB1]  }
0x2c: {  	s7 =	sld [smem:$0x3FB2]  }
0x2d: {  	s3 =	simm.s32 $0x108;
	s8 =	sld [smem:$0x3FB3]  }
0x2e: {  	s3 =	simm.s32 @!p0 $0x1082;
	s9 =	sld [smem:$0x3FB4]  }
0x2f: {  	lr =	sadd.s32 s0, s3;
	s0 =	sld [smem:$0x3FAB]  }
0x30: {  	s3 =	sld [smem:$0x3FAE]  }
0x31: {  	[smem:$0x3FB7] =	sst s10  }
0x32: {  	s10 =	sld [smem:$0x3FB5];
	_ =	sdelay $0x3  }
0x33: {  	p0 =	seq.s32 s10, $0x1;
	s10 =	sld [smem:$0x3FB7];
	_ =	sdelay $0x3  }
0x34: {  	[smem:$0x3FB7] =	sst s10  }
0x35: {  	s10 =	sld [smem:$0x3FB6];
	_ =	sdelay $0x3  }
0x36: {  	p1 =	seq.s32 s10, $0x1;
	s10 =	sld [smem:$0x3FB7];
	_ =	sdelay $0x3  }
0x37: {  	[smem:$0x3FB7] =	sst s10  }
0x38: {  	s10 =	sld [smem:$0x3FB8]  }
0x39: {  	_ = 	snop;
	(pc) =	sbr.ind lr, $3  }
0x3a: {  	_ = 	snop  }
0x3b: {  	_ = 	snop  }
0x3c: {  	p2 =	seq.s32 s10, $0x1;
	s10 =	sld [smem:$0x3FB7]  }
0x3d: {  	_ =	shalt  }
0x3e: {  	_ =	shalt  }
0x3f: {  	_ =	shalt  }
0x40: {  	_ =	shalt  }
0x41: {  	_ =	shalt  }
0x42: {  	_ =	shalt  }
0x43: {  	_ =	shalt  }
0x44: {  	_ =	shalt  }
0x45: {  	_ =	shalt  }
0x46: {  	_ =	shalt  }
0x47: {  	_ =	shalt  }
0x48: {  	_ =	shalt  }
0x49: {  	_ =	shalt  }
0x4a: {  	_ =	shalt  }
0x4b: {  	_ =	shalt  }
0x4c: {  	_ =	shalt  }
0x4d: {  	_ =	shalt  }
0x4e: {  	_ =	shalt  }
0x4f: {  	_ =	shalt  }
0x50: {  	_ =	shalt  }
0x51: {  	_ =	shalt  }
0x52: {  	_ =	shalt  }
0x53: {  	_ =	shalt  }
0x54: {  	_ =	shalt  }
0x55: {  	_ =	shalt  }
0x56: {  	_ =	shalt  }
0x57: {  	_ =	shalt  }
0x58: {  	_ =	shalt  }
0x59: {  	_ =	shalt  }
0x5a: {  	_ =	shalt  }
0x5b: {  	_ =	shalt  }
0x5c: {  	_ =	shalt  }
0x5d: {  	_ =	shalt  }
0x5e: {  	_ =	shalt  }
0x5f: {  	_ =	shalt  }
0x60: {  	_ =	shalt  }
0x61: {  	_ =	shalt  }
0x62: {  	_ =	shalt  }
0x63: {  	_ =	shalt  }
0x64: {  	_ =	shalt  }
0x65: {  	_ =	shalt  }
0x66: {  	_ =	shalt  }
0x67: {  	_ =	shalt  }
0x68: {  	_ =	shalt  }
0x69: {  	_ =	shalt  }
0x6a: {  	_ =	shalt  }
0x6b: {  	_ =	shalt  }
0x6c: {  	_ =	shalt  }
0x6d: {  	_ =	shalt  }
0x6e: {  	_ =	shalt  }
0x6f: {  	_ =	shalt  }
0x70: {  	_ =	shalt  }
0x71: {  	_ =	shalt  }
0x72: {  	_ =	shalt  }
0x73: {  	_ =	shalt  }
0x74: {  	_ =	shalt  }
0x75: {  	_ =	shalt  }
0x76: {  	_ =	shalt  }
0x77: {  	_ =	shalt  }
0x78: {  	_ =	shalt  }
0x79: {  	_ =	shalt  }
0x7a: {  	_ =	shalt  }
0x7b: {  	_ =	shalt  }
0x7c: {  	_ =	shalt  }
0x7d: {  	_ =	shalt  }
0x7e: {  	_ =	shalt  }
0x7f: {  	_ =	shalt  }
0x80: {  	_ =	shalt  }
0x81: {  	_ =	shalt  }
0x82: {  	_ =	shalt  }
0x83: {  	_ =	shalt  }
0x84: {  	_ =	shalt  }
0x85: {  	_ =	shalt  }
0x86: {  	_ =	shalt  }
0x87: {  	_ =	shalt  }
.Lfunc_end0:
.L_simem_size_0:
called_computation.2_lowered:
.L_overlay_start_0:
0x88: {  	s2 =	sld [smem:$0x3FD9]  }
0x89: {  	s3 =	sld [smem:$0x3FFE];
	_ =	sdelay $0x1  }
0x8a: {  	s1 =	srdreg.scid  }
0x8b: {  	s0 =	sand.u32 $0x1, s1  }
0x8c: {  	s17 =	sshll.u32 s0, $0xA;
	s2 =	sadd.s32 s3, s2  }
0x8d: {  	s2 =	sadd.s32 s2, s17  }
0x8e: {  	[smem:$0x3FC3] =	sst s2  }
0x8f: {  	_ = 	snop  }
0x90: {  	s2 =	sld [smem:$0x3FD0];
	(tm) =	ssettm $0x1  }
0x91: {  	s18 =	sld [smem:$0x3FFB];
	_ =	sdelay $0x3  }
0x92: {  	_ =	strace s18  }
0x93: {  	s3 =	sld [smem:$0x3FFC];
	_ =	sdelay $0x3  }
0x94: {  	_ =	strace s3  }
0x95: {  	s3 =	sld [smem:$0x3FFD];
	_ =	sdelay $0x3  }
0x96: {  	_ =	strace s3  }
0x97: {  	_ =	strace $0x8FFFFFFF  }
0x98: {  	s19 =	sld [smem:$0x3FDB];
	_ =	sdelay $0x1  }
0x99: {  	s4 =	simm.s32 $_scs_section_size  }
0x9a: {  	s5 =	simm.s32 $_size__tile_overlayer_lowered;
	s6 =	simm.s32 $_tile_overlayer_lowered  }
0x9b: {  	s22 =	simm.s32 $0x1BFF;
	s21 =	sshll.u32 s6, $0x1;
	s3 =	sadd.s32 s4, s19  }
0x9c: {  	s7 =	simm.s32 $0x0;
	s20 =	sshll.u32 s5, $0x1;
	s5 =	sadd.s32 s21, s3  }
0x9d: {  	[timem:s7], [sflag:s22] =	dma.local [hbm:s5], s20  }
0x9e: {  	_ =	swait.ge [sflag:s22], s20  }
0x9f: {  	s4 =	ssub.s32 $0x0, s20;
	[sflag:s22] =	ssyncset.done $0x0  }
0xa0: {  	[sflag:s22] =	ssyncadd.s32 s4;
	_ =	sdelay $0x1  }
0xa1: {  	s23 =	simm.s32 $0x1B8B  }
0xa2: {  	_ =	swait.ge [sflag:s23], $0x1  }
0xa3: {  	[sflag:s23] =	ssyncset.done $0x0  }
0xa4: {  	s25 =	simm.s32 $0x1B8E;
	s24 =	sld [smem:$0x3FFE];
	[sflag:s23] =	ssyncadd.s32 $0xFFFFFFFF  }
0xa5: {  	s26 =	simm.s32 $execute0_lowered;
	[smem:$0x3FD2] =	sst s25  }
0xa6: {  	s5 =	sshll.u32 s26, $0x1;
	_ =	strace $0x8000004C;
	[dreg:$0x1] =	wrdreg $0xFFFFFFFF  }
0xa7: {  	s28 =	simm.s32 $_size_execute0_lowered;
	s3 =	sadd.s32 s3, s5;
	[dreg:$0x0] =	wrdreg $0x0  }
0xa8: {  	s5 =	sshll.u32 s28, $0x1;
	[dreg:$0x2] =	wrdreg s3  }
0xa9: {  	[dreg:$0x3] =	wrdreg s5  }
0xaa: {  	[dreg:$0x4] =	wrdreg $0xC0  }
0xab: {  	_ =	task [dreg:s7], $0x5FFFF  }
0xac: {  	[dreg:$0x1] =	wrdreg $0xFFFFFFFF  }
0xad: {  	[dreg:$0x0] =	wrdreg $0x60  }
0xae: {  	[dreg:$0x2] =	wrdreg s2  }
0xaf: {  	[dreg:$0x3] =	wrdreg s24  }
0xb0: {  	[dreg:$0x4] =	wrdreg $0x41000  }
0xb1: {  	[dreg:$0x5] =	wrdreg $0x9  }
0xb2: {  	_ =	task.clear_ibuf [dreg:s7], $0x6FFFF;
	_ =	strace $0x9000004C  }
0xb3: {  	s29 =	simm.s32 $0x9;
	_ =	strace $0x8000004E  }
0xb4: {  	_ =	swait.ge [sflag:s29], $0x1  }
0xb5: {  	[sflag:s29] =	ssyncadd.s32 $0xFFFFFFFF  }
0xb6: {  	_ =	strace $0x9000004E  }
0xb7: {  	_ =	sfence  }
0xb8: {  	s30 =	sld [smem:$0x0];
	_ =	sdelay $0x2  }
0xb9: {  	s31 =	sshll.u32 s1, $0xD;
	s1 =	sshrl.u32 s1, $0x2  }
0xba: {  	s3 =	sand.u32 $0x4000, s31;
	s1 =	sadd.s32 s1, s30  }
0xbb: {  	s0 =	sor.u32 s3, s0;
	s1 =	sshll.u32 s1, $0x11  }
0xbc: {  	s0 =	sor.u32 s1, s0  }
0xbd: {  	s0 =	sadd.s32 $0x8F2B, s0  }
0xbe: {  	[sflag:s0] =	ssyncadd.remote.s32 $0x1  }
0xbf: {  	_ =	sfence.sel $0xFFFF  }
0xc0: {  	[dreg:$0x0] =	wrdreg $0xFFFFFFFF;
	(pc) =	sbr.abs _section_cstart, $3  }
0xc1: {  	[dreg:$0x1] =	wrdreg $0xFFFFFFFF  }
0xc2: {  	_ =	task.clear_ibuf [dreg:s7], $0x2FFFF;
	_ =	strace $0x9FFFFFFF  }
0xc3: {  	(tm) =	ssettm $0x7FFFFFFF  }
tec
execute0_lowered:
.L_overlay_start_1:
0x0: {  	(tag) =	ssettag $0x1  }
0x1: {  	s2 =	rddreg [dreg:$0x0]  }
0x2: {  	s6 =	rddreg [dreg:$0x1]  }
0x3: {  	s3 =	rddreg [dreg:$0x2]  }
0x4: {  	s0 =	rddreg [dreg:$0x3];
	s1 =	stileid.u32;
	s4 =	simm.s32 $0x0  }
0x5: {  	s5 =	srdreg.scid;
	s13 =	simm.s32 $0x80;
	s7 =	smul.u32 $0x60, s1  }
0x6: {  	s14 =	simm.s32 $0x100;
	s15 =	simm.s32 $0x1;
	s8 =	smul.u32 $0x3D, s1  }
0x7: {  	s16 =	simm.s32 $0x0;
	[smem:$0x7FF] =	sst s4;
	s25 =	smul.u32 $0x14000, s1  }
0x8: {  	s5 =	sand.u32 $0x1, s5;
	s11 =	smul.u32 $0x50000, s1;
	s31 =	sshll.u32 s1, $0x6  }
0x9: {  	p0 =	seq.s32 s5, $0x0;
	s9 =	smul.u32 $0x140000, s5;
	_ =	strace $0x8000004D  }
0xa: {  	s28 =	ssub.s32 $0x2, s5;
	s5 =	sadd.s32 $0x15800, s6;
	s7 =	sadd.s32 $0x3D0, s7  }
0xb: {  	s29 =	sshrl.u32 s28, $0x1;
	s30 =	sshrl.u32 s11, $0x2;
	s7 =	smov.u32 @p0 s8  }
0xc: {  	s26 =	sadd.s32 s25, s9;
	s9 =	ssub.s32 s28, s29;
	s7 =	sshll.u32 s7, $0x5  }
0xd: {  	s11 =	sadd.s32 s30, s3;
	s10 =	sadd.s32 s7, s6;
	s7 =	sshrl.u32 s26, $0x3  }
0xe: {  	s9 =	smax.u32 s9, $0x1;
	s11 =	sshrl.u32 s11, $0x3;
	s12 =	sadd.s32 s7, s6  }
0xf: {  	s6 =	simm.s32 $0x3D;
	s7 =	sor.u32 $0x1C02, s31;
	s10 =	sadd.s32 $0x1E00, s10  }
0x10: {  	s6 =	simm.s32 @!p0 $0x60;
	s8 =	sadd.s32 $0x18000, s12;
	s12 =	simm.s32 $0x2  }
.LBB2_1:
0x11: {  	[spmem:s11], [sflag:s7] =	dma.local [hbm:s5], $0x2800  }
0x12: {  	_ =	swait.ge [sflag:s12], $0x2800  }
0x13: {  	[sflag:s12] =	ssyncset.done $0x0  }
0x14: {  	[sflag:s12] =	ssyncadd.s32 $0xFFFFD800  }
0x15: {  	[bflag:$0x0] =	sbarrier.arrive $0xFFFF  }
0x16: {  	[tilespmem:s4], [sflag:$0x2] =	stream.linear.gather [hbm4b:s10+s4], $0x80, $0x38;
	[tilespmem:$0x18100] =	vst v63  }
0x17: {  	_ =	swait.ge [sflag:s12], $0x80  }
0x18: {  	[sflag:s12] =	ssyncset.done $0x0  }
0x19: {  	s17 =	sadd.s32 $0x10, s10;
	[sflag:s12] =	ssyncadd.s32 $0xFFFFFF80  }
0x1a: {  	[tilespmem:s13], [sflag:$0x2] =	stream.linear.gather [hbm4b:s17+s4], $0x80, $0x38;
	[tilespmem:$0x18100] =	vst v63  }
0x1b: {  	_ =	swait.ge [sflag:s12], $0x80  }
0x1c: {  	[sflag:s12] =	ssyncset.done $0x0  }
0x1d: {  	[sflag:s12] =	ssyncadd.s32 $0xFFFFFF80  }
0x1e: {  	[tilespmem:s14], [sflag:$0x1] =	stream.indirect.gather [hbm4b:s2+s13], $0x80, s4, s13, $0xb8;
	[tilespmem:$0x18100] =	vst v63  }
0x1f: {  	p0 =	sne.s32 s6, $0x1;
	_ =	swait.ge [sflag:s15], $0x4000  }
.Ltmp0:
0x20: {  	[sflag:s15] =	ssyncset.done $0x0;
	(pc) =	sbr.rel @!p0 .LBB2_3-.Ltmp0, $4  }
0x21: {  	[sflag:s15] =	ssyncadd.s32 $0xFFFFC000  }
0x22: {  	[spmem:s3] =	stream.indirect.scatter.add.f32 [tilespmem:s14], [sflag:$0x2], $0x80, s13, s13, $0xb8;
	[tilespmem:$0x18100] =	vst v63  }
0x23: {  	_ =	swait.ge [sflag:s12], $0x4000  }
0x24: {  	s18 =	smov.u32 s10;
	s17 =	sadd.s32 $0xFFFFFFFF, s6;
	[sflag:s12] =	ssyncset.done $0x0  }
.LBB2_2:
0x25: {  	p0 =	sne.s32 s17, $0x1;
	[sflag:s12] =	ssyncadd.s32 $0xFFFFC000;
	s18 =	sadd.s32 $0x20, s18  }
0x26: {  	[tilespmem:s4], [sflag:$0x2] =	stream.linear.gather [hbm4b:s18+s4], $0x80, $0x38;
	[tilespmem:$0x18100] =	vst v63  }
0x27: {  	s17 =	sadd.s32 $0xFFFFFFFF, s17;
	_ =	swait.ge [sflag:s12], $0x80  }
0x28: {  	[sflag:s12] =	ssyncset.done $0x0  }
0x29: {  	s19 =	sadd.s32 $0x10, s18;
	[sflag:s12] =	ssyncadd.s32 $0xFFFFFF80  }
0x2a: {  	[tilespmem:s13], [sflag:$0x2] =	stream.linear.gather [hbm4b:s19+s4], $0x80, $0x38;
	[tilespmem:$0x18100] =	vst v63  }
0x2b: {  	_ =	swait.ge [sflag:s12], $0x80  }
0x2c: {  	[sflag:s12] =	ssyncset.done $0x0  }
0x2d: {  	[sflag:s12] =	ssyncadd.s32 $0xFFFFFF80  }
0x2e: {  	[tilespmem:s14], [sflag:$0x1] =	stream.indirect.gather [hbm4b:s2+s13], $0x80, s4, s13, $0xb8;
	[tilespmem:$0x18100] =	vst v63  }
0x2f: {  	_ =	swait.ge [sflag:s15], $0x4000  }
.Ltmp1:
0x30: {  	[sflag:s15] =	ssyncset.done $0x0;
	(pc) =	sbr.rel @p0 .LBB2_2-.Ltmp1, $4  }
0x31: {  	[sflag:s15] =	ssyncadd.s32 $0xFFFFC000  }
0x32: {  	[spmem:s3] =	stream.indirect.scatter.add.f32 [tilespmem:s14], [sflag:$0x2], $0x80, s13, s13, $0xb8;
	[tilespmem:$0x18100] =	vst v63  }
0x33: {  	_ =	swait.ge [sflag:s12], $0x4000  }
0x34: {  	[sflag:s12] =	ssyncset.done $0x0  }
.LBB2_3:
0x35: {  	s16 =	sadd.s32 $0x1, s16  }
0x36: {  	[sflag:s12] =	ssyncadd.s32 $0xFFFFC000;
	p0 =	sne.s32 s16, s9  }
.Ltmp2:
0x37: {  	[bflag:$0x0] =	sbarrier.arrive $0xFFFF;
	(pc) =	sbr.rel @p0 .LBB2_1-.Ltmp2, $4  }
0x38: {  	[hbm:s8], [sflag:s7] =	dma.local [spmem:s11], $0x2800  }
0x39: {  	_ =	swait.ge [sflag:s12], $0x2800  }
0x3a: {  	[sflag:s12] =	ssyncset.done $0x0  }
0x3b: {  	[sflag:s12] =	ssyncadd.s32 $0xFFFFD800  }
0x3c: {  	_ =	sfence.sel $0x180000  }
0x3d: {  	[bflag:$0x0] =	sbarrier.arrive $0xFFFF  }
0x3e: {  	p0 =	sne.s32 s1, $0x0;
	_ =	strace $0x9000004D  }
0x3f: {  	s0 =	sadd.s32 @!p0 $0x100000, s0;
	[bflag:$0x2] =	sbarrier.arrive $0xFFFF  }
0x40: {  	[sflag:s0] =	ssyncadd.tile.s32 @!p0 $0x1;
	_ =	shalt  }
.Lfunc_end2:
_tile_overlayer_lowered:
.L_overlay_start_2:
0x41: {  	(tag) =	ssettag $0x2  }
0x42: {  	s0 =	rddreg [dreg:$0x0];
	s2 =	stileid.u32  }
0x43: {  	s1 =	rddreg [dreg:$0x1];
	p0 =	sne.s32 s2, $0x0  }
0x44: {  	s3 =	rddreg [dreg:$0x2];
	[bflag:$0x3] =	sbarrier.arrive $0xFFFF;
	s2 =	simm.s32 @!p0 $0x1C02  }
0x45: {  	[timem:s3], [sflag:s2] =	dma.local @!p0 [hbm:s0], s1  }
0x46: {  	s0 =	simm.s32 @!p0 $0x2  }
0x47: {  	_ =	swait.ge @!p0 [sflag:s0], s1  }
0x48: {  	s1 =	ssub.s32 @!p0 $0x0, s1;
	[sflag:s0] =	ssyncset.done @!p0 $0x0  }
0x49: {  	[sflag:s0] =	ssyncadd.s32 @!p0 s1  }
0x4a: {  	[bflag:$0x3] =	sbarrier.arrive $0xFFFF  }
0x4b: {  	_ =	shalt  }

// kernel: kernel.18.cloned.1.call-start
scs
__scs_entry_jumppad:
0x0: {  	(pc) =	sbr.rel $0x88, $3  }
0x1: {  	(tag) =	ssettag $0x0;
	lr =	simm.s32 $0x1  }
0x2: {  	[smem:$0x3F9C] =	sst lr;
	_ =	strace $0xD0000000  }
0x3: {  	_ = 	snop  }
0x4: {  	_ = 	snop  }
0x5: {  	_ = 	snop  }
0x6: {  	_ = 	snop  }
0x7: {  	_ = 	snop  }
__scs_overlays_trampoline_lowered:
0x8: {  	[smem:$0x3FAB] =	sst s0  }
0x9: {  	[smem:$0x3FAC] =	sst s1  }
0xa: {  	[smem:$0x3FAD] =	sst s2  }
0xb: {  	[smem:$0x3FAE] =	sst s3  }
0xc: {  	[smem:$0x3FAF] =	sst s4  }
0xd: {  	[smem:$0x3FB0] =	sst s5  }
0xe: {  	[smem:$0x3FB1] =	sst s6  }
0xf: {  	[smem:$0x3FB2] =	sst s7  }
0x10: {  	[smem:$0x3FB3] =	sst s8  }
0x11: {  	[smem:$0x3FB4] =	sst s9;
	s0 =	simm.s32 @!p0 $0x0  }
0x12: {  	s1 =	sld [smem:$0x3F9A];
	s0 =	simm.s32 @p0 $0x1  }
0x13: {  	[smem:$0x3FB5] =	sst s0;
	s0 =	simm.s32 @!p1 $0x0  }
0x14: {  	s2 =	sld [smem:$0x3F99];
	s0 =	simm.s32 @p1 $0x1  }
0x15: {  	[smem:$0x3FB6] =	sst s0;
	s0 =	simm.s32 @!p2 $0x0  }
0x16: {  	s3 =	sld [smem:$0x3FDB];
	s0 =	simm.s32 @p2 $0x1  }
0x17: {  	s4 =	simm.s32 $0x1BF5;
	[smem:$0x3FB8] =	sst s0  }
0x18: {  	s0 =	sld [smem:$0x3F9B];
	_ =	swait.ge [sflag:s4], $0x0  }
0x19: {  	s7 =	sld [smem:$0x3F9C]  }
0x1a: {  	s8 =	sadd.s32 $0xFFFFE003, lr  }
0x1b: {  	s9 =	sadd.s32 $0xFFFFFEF7, lr;
	s5 =	simm.s32 $0xFFFFFFFF;
	p2 =	slt.u32 s8, $0xFFFFF086  }
0x1c: {  	p1 =	slt.u32 s9, $0xF7A;
	s5 =	simm.s32 @!p2 $0x0  }
0x1d: {  	s5 =	simm.s32 @p1 $0x1;
	p0 =	seq.s32 s7, s2  }
0x1e: {  	s7 =	smul.u32 @!p0 $0xF7A, s2;
	p2 =	seq.s32 @!p0 s5, $0x0  }
0x1f: {  	s9 =	smul.u32 $0xF7A, s1;
	s8 =	simm.s32 @!p0 $0x1BF5;
	p2 =	por !p2, p0  }
0x20: {  	[sflag:s8] =	ssyncset.s32 @!p0 $0xFFFFF086;
	s6 =	sadd.s32 @!p0 s3, s7;
	s7 =	simm.s32 @!p0 $0x108  }
0x21: {  	s3 =	sadd.s32 s3, s9;
	s6 =	sadd.s32 @!p0 $0x88, s6;
	s7 =	simm.s32 @p2 $0x1082  }
0x22: {  	[simem:s7], [sflag:s8] =	dma.local @!p0 [hbm:s6], $0xF7A  }
0x23: {  	s9 =	sor.u32 $0xD0000000, s2;
	s6 =	simm.s32 $0x108;
	_ =	swait.ge @!p0 [sflag:s8], $0x0  }
0x24: {  	s3 =	sadd.s32 $0x88, s3;
	s6 =	simm.s32 @!p1 $0x1082;
	[sflag:s4] =	ssyncset.s32 $0xFFFFF086  }
0x25: {  	[simem:s6], [sflag:s4] =	dma.local [hbm:s3], $0xF7A  }
0x26: {  	[smem:$0x3F9C] =	sst s1;
	(tag) =	ssettag s2;
	_ =	strace s9  }
0x27: {  	s1 =	sld [smem:$0x3FAC]  }
0x28: {  	s2 =	sld [smem:$0x3FAD]  }
0x29: {  	s4 =	sld [smem:$0x3FAF]  }
0x2a: {  	p0 =	seq.s32 s5, $0x0;
	s5 =	sld [smem:$0x3FB0]  }
0x2b: {  	s6 =	sld [smem:$0x3FB1]  }
0x2c: {  	s7 =	sld [smem:$0x3FB2]  }
0x2d: {  	s3 =	simm.s32 $0x108;
	s8 =	sld [smem:$0x3FB3]  }
0x2e: {  	s3 =	simm.s32 @!p0 $0x1082;
	s9 =	sld [smem:$0x3FB4]  }
0x2f: {  	lr =	sadd.s32 s0, s3;
	s0 =	sld [smem:$0x3FAB]  }
0x30: {  	s3 =	sld [smem:$0x3FAE]  }
0x31: {  	[smem:$0x3FB7] =	sst s10  }
0x32: {  	s10 =	sld [smem:$0x3FB5];
	_ =	sdelay $0x3  }
0x33: {  	p0 =	seq.s32 s10, $0x1;
	s10 =	sld [smem:$0x3FB7];
	_ =	sdelay $0x3  }
0x34: {  	[smem:$0x3FB7] =	sst s10  }
0x35: {  	s10 =	sld [smem:$0x3FB6];
	_ =	sdelay $0x3  }
0x36: {  	p1 =	seq.s32 s10, $0x1;
	s10 =	sld [smem:$0x3FB7];
	_ =	sdelay $0x3  }
0x37: {  	[smem:$0x3FB7] =	sst s10  }
0x38: {  	s10 =	sld [smem:$0x3FB8]  }
0x39: {  	_ = 	snop;
	(pc) =	sbr.ind lr, $3  }
0x3a: {  	_ = 	snop  }
0x3b: {  	_ = 	snop  }
0x3c: {  	p2 =	seq.s32 s10, $0x1;
	s10 =	sld [smem:$0x3FB7]  }
0x3d: {  	_ =	shalt  }
0x3e: {  	_ =	shalt  }
0x3f: {  	_ =	shalt  }
0x40: {  	_ =	shalt  }
0x41: {  	_ =	shalt  }
0x42: {  	_ =	shalt  }
0x43: {  	_ =	shalt  }
0x44: {  	_ =	shalt  }
0x45: {  	_ =	shalt  }
0x46: {  	_ =	shalt  }
0x47: {  	_ =	shalt  }
0x48: {  	_ =	shalt  }
0x49: {  	_ =	shalt  }
0x4a: {  	_ =	shalt  }
0x4b: {  	_ =	shalt  }
0x4c: {  	_ =	shalt  }
0x4d: {  	_ =	shalt  }
0x4e: {  	_ =	shalt  }
0x4f: {  	_ =	shalt  }
0x50: {  	_ =	shalt  }
0x51: {  	_ =	shalt  }
0x52: {  	_ =	shalt  }
0x53: {  	_ =	shalt  }
0x54: {  	_ =	shalt  }
0x55: {  	_ =	shalt  }
0x56: {  	_ =	shalt  }
0x57: {  	_ =	shalt  }
0x58: {  	_ =	shalt  }
0x59: {  	_ =	shalt  }
0x5a: {  	_ =	shalt  }
0x5b: {  	_ =	shalt  }
0x5c: {  	_ =	shalt  }
0x5d: {  	_ =	shalt  }
0x5e: {  	_ =	shalt  }
0x5f: {  	_ =	shalt  }
0x60: {  	_ =	shalt  }
0x61: {  	_ =	shalt  }
0x62: {  	_ =	shalt  }
0x63: {  	_ =	shalt  }
0x64: {  	_ =	shalt  }
0x65: {  	_ =	shalt  }
0x66: {  	_ =	shalt  }
0x67: {  	_ =	shalt  }
0x68: {  	_ =	shalt  }
0x69: {  	_ =	shalt  }
0x6a: {  	_ =	shalt  }
0x6b: {  	_ =	shalt  }
0x6c: {  	_ =	shalt  }
0x6d: {  	_ =	shalt  }
0x6e: {  	_ =	shalt  }
0x6f: {  	_ =	shalt  }
0x70: {  	_ =	shalt  }
0x71: {  	_ =	shalt  }
0x72: {  	_ =	shalt  }
0x73: {  	_ =	shalt  }
0x74: {  	_ =	shalt  }
0x75: {  	_ =	shalt  }
0x76: {  	_ =	shalt  }
0x77: {  	_ =	shalt  }
0x78: {  	_ =	shalt  }
0x79: {  	_ =	shalt  }
0x7a: {  	_ =	shalt  }
0x7b: {  	_ =	shalt  }
0x7c: {  	_ =	shalt  }
0x7d: {  	_ =	shalt  }
0x7e: {  	_ =	shalt  }
0x7f: {  	_ =	shalt  }
0x80: {  	_ =	shalt  }
0x81: {  	_ =	shalt  }
0x82: {  	_ =	shalt  }
0x83: {  	_ =	shalt  }
0x84: {  	_ =	shalt  }
0x85: {  	_ =	shalt  }
0x86: {  	_ =	shalt  }
0x87: {  	_ =	shalt  }
.Lfunc_end0:
.L_simem_size_0:
called_computation.3_lowered:
.L_overlay_start_0:
0x88: {  	s2 =	sld [smem:$0x3FD9]  }
0x89: {  	s3 =	sld [smem:$0x3FFE];
	_ =	sdelay $0x1  }
0x8a: {  	s1 =	srdreg.scid  }
0x8b: {  	s0 =	sand.u32 $0x1, s1  }
0x8c: {  	s17 =	sshll.u32 s0, $0xA;
	s2 =	sadd.s32 s3, s2  }
0x8d: {  	s2 =	sadd.s32 s2, s17  }
0x8e: {  	[smem:$0x3FC3] =	sst s2  }
0x8f: {  	_ = 	snop  }
0x90: {  	s2 =	sld [smem:$0x3FD0];
	(tm) =	ssettm $0x1  }
0x91: {  	s18 =	sld [smem:$0x3FFB];
	_ =	sdelay $0x3  }
0x92: {  	_ =	strace s18  }
0x93: {  	s3 =	sld [smem:$0x3FFC];
	_ =	sdelay $0x3  }
0x94: {  	_ =	strace s3  }
0x95: {  	s3 =	sld [smem:$0x3FFD];
	_ =	sdelay $0x3  }
0x96: {  	_ =	strace s3  }
0x97: {  	_ =	strace $0x8FFFFFFF  }
0x98: {  	s19 =	sld [smem:$0x3FDB];
	_ =	sdelay $0x1  }
0x99: {  	s4 =	simm.s32 $_scs_section_size  }
0x9a: {  	s5 =	simm.s32 $_size__tile_overlayer_lowered;
	s6 =	simm.s32 $_tile_overlayer_lowered  }
0x9b: {  	s22 =	simm.s32 $0x1BFF;
	s21 =	sshll.u32 s6, $0x1;
	s3 =	sadd.s32 s4, s19  }
0x9c: {  	s7 =	simm.s32 $0x0;
	s20 =	sshll.u32 s5, $0x1;
	s5 =	sadd.s32 s21, s3  }
0x9d: {  	[timem:s7], [sflag:s22] =	dma.local [hbm:s5], s20  }
0x9e: {  	_ =	swait.ge [sflag:s22], s20  }
0x9f: {  	s4 =	ssub.s32 $0x0, s20;
	[sflag:s22] =	ssyncset.done $0x0  }
0xa0: {  	[sflag:s22] =	ssyncadd.s32 s4;
	_ =	sdelay $0x1  }
0xa1: {  	s23 =	simm.s32 $0x1B8B  }
0xa2: {  	_ =	swait.ge [sflag:s23], $0x1  }
0xa3: {  	[sflag:s23] =	ssyncset.done $0x0  }
0xa4: {  	s25 =	simm.s32 $0x1B8E;
	s24 =	sld [smem:$0x3FFE];
	[sflag:s23] =	ssyncadd.s32 $0xFFFFFFFF  }
0xa5: {  	s26 =	simm.s32 $execute0_lowered;
	[smem:$0x3FD2] =	sst s25  }
0xa6: {  	s5 =	sshll.u32 s26, $0x1;
	_ =	strace $0x8000004F;
	[dreg:$0x1] =	wrdreg $0xFFFFFFFF  }
0xa7: {  	s28 =	simm.s32 $_size_execute0_lowered;
	s3 =	sadd.s32 s3, s5;
	[dreg:$0x0] =	wrdreg $0x0  }
0xa8: {  	s5 =	sshll.u32 s28, $0x1;
	[dreg:$0x2] =	wrdreg s3  }
0xa9: {  	[dreg:$0x3] =	wrdreg s5  }
0xaa: {  	[dreg:$0x4] =	wrdreg $0xC0  }
0xab: {  	_ =	task [dreg:s7], $0x5FFFF  }
0xac: {  	[dreg:$0x1] =	wrdreg $0xFFFFFFFF  }
0xad: {  	[dreg:$0x0] =	wrdreg $0x60  }
0xae: {  	[dreg:$0x2] =	wrdreg s2  }
0xaf: {  	[dreg:$0x3] =	wrdreg s24  }
0xb0: {  	[dreg:$0x4] =	wrdreg $0x41000  }
0xb1: {  	[dreg:$0x5] =	wrdreg $0x9  }
0xb2: {  	_ =	task.clear_ibuf [dreg:s7], $0x6FFFF;
	_ =	strace $0x9000004F  }
0xb3: {  	s29 =	simm.s32 $0x9;
	_ =	strace $0x80000051  }
0xb4: {  	_ =	swait.ge [sflag:s29], $0x1  }
0xb5: {  	[sflag:s29] =	ssyncadd.s32 $0xFFFFFFFF  }
0xb6: {  	_ =	strace $0x90000051  }
0xb7: {  	_ =	sfence  }
0xb8: {  	s30 =	sld [smem:$0x0];
	_ =	sdelay $0x2  }
0xb9: {  	s31 =	sshll.u32 s1, $0xD;
	s1 =	sshrl.u32 s1, $0x2  }
0xba: {  	s3 =	sand.u32 $0x4000, s31;
	s1 =	sadd.s32 s1, s30  }
0xbb: {  	s0 =	sor.u32 s3, s0;
	s1 =	sshll.u32 s1, $0x11  }
0xbc: {  	s0 =	sor.u32 s1, s0  }
0xbd: {  	s0 =	sadd.s32 $0x8F2B, s0  }
0xbe: {  	[sflag:s0] =	ssyncadd.remote.s32 $0x1  }
0xbf: {  	_ =	sfence.sel $0xFFFF  }
0xc0: {  	[dreg:$0x0] =	wrdreg $0xFFFFFFFF;
	(pc) =	sbr.abs _section_cstart, $3  }
0xc1: {  	[dreg:$0x1] =	wrdreg $0xFFFFFFFF  }
0xc2: {  	_ =	task.clear_ibuf [dreg:s7], $0x2FFFF;
	_ =	strace $0x9FFFFFFF  }
0xc3: {  	(tm) =	ssettm $0x7FFFFFFF  }
tec
execute0_lowered:
.L_overlay_start_1:
0x0: {  	(tag) =	ssettag $0x1  }
0x1: {  	s2 =	rddreg [dreg:$0x0]  }
0x2: {  	s6 =	rddreg [dreg:$0x1]  }
0x3: {  	s3 =	rddreg [dreg:$0x2]  }
0x4: {  	s0 =	rddreg [dreg:$0x3];
	s1 =	stileid.u32;
	s4 =	simm.s32 $0x0  }
0x5: {  	s5 =	srdreg.scid;
	s13 =	simm.s32 $0x80;
	s7 =	smul.u32 $0x60, s1  }
0x6: {  	s14 =	simm.s32 $0x100;
	s15 =	simm.s32 $0x1;
	s8 =	smul.u32 $0x3D, s1  }
0x7: {  	s16 =	simm.s32 $0x0;
	[smem:$0x7FF] =	sst s4;
	s25 =	smul.u32 $0x14000, s1  }
0x8: {  	s5 =	sand.u32 $0x1, s5;
	s11 =	smul.u32 $0x50000, s1;
	s31 =	sshll.u32 s1, $0x6  }
0x9: {  	p0 =	seq.s32 s5, $0x0;
	s9 =	smul.u32 $0x140000, s5;
	_ =	strace $0x80000050  }
0xa: {  	s28 =	ssub.s32 $0x2, s5;
	s5 =	sadd.s32 $0x15800, s6;
	s7 =	sadd.s32 $0x3D0, s7  }
0xb: {  	s29 =	sshrl.u32 s28, $0x1;
	s30 =	sshrl.u32 s11, $0x2;
	s7 =	smov.u32 @p0 s8  }
0xc: {  	s26 =	sadd.s32 s25, s9;
	s9 =	ssub.s32 s28, s29;
	s7 =	sshll.u32 s7, $0x5  }
0xd: {  	s11 =	sadd.s32 s30, s3;
	s10 =	sadd.s32 s7, s6;
	s7 =	sshrl.u32 s26, $0x3  }
0xe: {  	s9 =	smax.u32 s9, $0x1;
	s11 =	sshrl.u32 s11, $0x3;
	s12 =	sadd.s32 s7, s6  }
0xf: {  	s6 =	simm.s32 $0x3D;
	s7 =	sor.u32 $0x1C02, s31;
	s10 =	sadd.s32 $0x1E00, s10  }
0x10: {  	s6 =	simm.s32 @!p0 $0x60;
	s8 =	sadd.s32 $0x18000, s12;
	s12 =	simm.s32 $0x2  }
.LBB2_1:
0x11: {  	[spmem:s11], [sflag:s7] =	dma.local [hbm:s5], $0x2800  }
0x12: {  	_ =	swait.ge [sflag:s12], $0x2800  }
0x13: {  	[sflag:s12] =	ssyncset.done $0x0  }
0x14: {  	[sflag:s12] =	ssyncadd.s32 $0xFFFFD800  }
0x15: {  	[bflag:$0x0] =	sbarrier.arrive $0xFFFF  }
0x16: {  	[tilespmem:s4], [sflag:$0x2] =	stream.linear.gather [hbm4b:s10+s4], $0x80, $0x38;
	[tilespmem:$0x18100] =	vst v63  }
0x17: {  	_ =	swait.ge [sflag:s12], $0x80  }
0x18: {  	[sflag:s12] =	ssyncset.done $0x0  }
0x19: {  	s17 =	sadd.s32 $0x10, s10;
	[sflag:s12] =	ssyncadd.s32 $0xFFFFFF80  }
0x1a: {  	[tilespmem:s13], [sflag:$0x2] =	stream.linear.gather [hbm4b:s17+s4], $0x80, $0x38;
	[tilespmem:$0x18100] =	vst v63  }
0x1b: {  	_ =	swait.ge [sflag:s12], $0x80  }
0x1c: {  	[sflag:s12] =	ssyncset.done $0x0  }
0x1d: {  	[sflag:s12] =	ssyncadd.s32 $0xFFFFFF80  }
0x1e: {  	[tilespmem:s14], [sflag:$0x1] =	stream.indirect.gather [hbm4b:s2+s13], $0x80, s4, s13, $0xb8;
	[tilespmem:$0x18100] =	vst v63  }
0x1f: {  	p0 =	sne.s32 s6, $0x1;
	_ =	swait.ge [sflag:s15], $0x4000  }
.Ltmp0:
0x20: {  	[sflag:s15] =	ssyncset.done $0x0;
	(pc) =	sbr.rel @!p0 .LBB2_3-.Ltmp0, $4  }
0x21: {  	[sflag:s15] =	ssyncadd.s32 $0xFFFFC000  }
0x22: {  	[spmem:s3] =	stream.indirect.scatter.add.f32 [tilespmem:s14], [sflag:$0x2], $0x80, s13, s13, $0xb8;
	[tilespmem:$0x18100] =	vst v63  }
0x23: {  	_ =	swait.ge [sflag:s12], $0x4000  }
0x24: {  	s18 =	smov.u32 s10;
	s17 =	sadd.s32 $0xFFFFFFFF, s6;
	[sflag:s12] =	ssyncset.done $0x0  }
.LBB2_2:
0x25: {  	p0 =	sne.s32 s17, $0x1;
	[sflag:s12] =	ssyncadd.s32 $0xFFFFC000;
	s18 =	sadd.s32 $0x20, s18  }
0x26: {  	[tilespmem:s4], [sflag:$0x2] =	stream.linear.gather [hbm4b:s18+s4], $0x80, $0x38;
	[tilespmem:$0x18100] =	vst v63  }
0x27: {  	s17 =	sadd.s32 $0xFFFFFFFF, s17;
	_ =	swait.ge [sflag:s12], $0x80  }
0x28: {  	[sflag:s12] =	ssyncset.done $0x0  }
0x29: {  	s19 =	sadd.s32 $0x10, s18;
	[sflag:s12] =	ssyncadd.s32 $0xFFFFFF80  }
0x2a: {  	[tilespmem:s13], [sflag:$0x2] =	stream.linear.gather [hbm4b:s19+s4], $0x80, $0x38;
	[tilespmem:$0x18100] =	vst v63  }
0x2b: {  	_ =	swait.ge [sflag:s12], $0x80  }
0x2c: {  	[sflag:s12] =	ssyncset.done $0x0  }
0x2d: {  	[sflag:s12] =	ssyncadd.s32 $0xFFFFFF80  }
0x2e: {  	[tilespmem:s14], [sflag:$0x1] =	stream.indirect.gather [hbm4b:s2+s13], $0x80, s4, s13, $0xb8;
	[tilespmem:$0x18100] =	vst v63  }
0x2f: {  	_ =	swait.ge [sflag:s15], $0x4000  }
.Ltmp1:
0x30: {  	[sflag:s15] =	ssyncset.done $0x0;
	(pc) =	sbr.rel @p0 .LBB2_2-.Ltmp1, $4  }
0x31: {  	[sflag:s15] =	ssyncadd.s32 $0xFFFFC000  }
0x32: {  	[spmem:s3] =	stream.indirect.scatter.add.f32 [tilespmem:s14], [sflag:$0x2], $0x80, s13, s13, $0xb8;
	[tilespmem:$0x18100] =	vst v63  }
0x33: {  	_ =	swait.ge [sflag:s12], $0x4000  }
0x34: {  	[sflag:s12] =	ssyncset.done $0x0  }
.LBB2_3:
0x35: {  	s16 =	sadd.s32 $0x1, s16  }
0x36: {  	[sflag:s12] =	ssyncadd.s32 $0xFFFFC000;
	p0 =	sne.s32 s16, s9  }
.Ltmp2:
0x37: {  	[bflag:$0x0] =	sbarrier.arrive $0xFFFF;
	(pc) =	sbr.rel @p0 .LBB2_1-.Ltmp2, $4  }
0x38: {  	[hbm:s8], [sflag:s7] =	dma.local [spmem:s11], $0x2800  }
0x39: {  	_ =	swait.ge [sflag:s12], $0x2800  }
0x3a: {  	[sflag:s12] =	ssyncset.done $0x0  }
0x3b: {  	[sflag:s12] =	ssyncadd.s32 $0xFFFFD800  }
0x3c: {  	_ =	sfence.sel $0x180000  }
0x3d: {  	[bflag:$0x0] =	sbarrier.arrive $0xFFFF  }
0x3e: {  	p0 =	sne.s32 s1, $0x0;
	_ =	strace $0x90000050  }
0x3f: {  	s0 =	sadd.s32 @!p0 $0x100000, s0;
	[bflag:$0x2] =	sbarrier.arrive $0xFFFF  }
0x40: {  	[sflag:s0] =	ssyncadd.tile.s32 @!p0 $0x1;
	_ =	shalt  }
.Lfunc_end2:
_tile_overlayer_lowered:
.L_overlay_start_2:
0x41: {  	(tag) =	ssettag $0x2  }
0x42: {  	s0 =	rddreg [dreg:$0x0];
	s2 =	stileid.u32  }
0x43: {  	s1 =	rddreg [dreg:$0x1];
	p0 =	sne.s32 s2, $0x0  }
0x44: {  	s3 =	rddreg [dreg:$0x2];
	[bflag:$0x3] =	sbarrier.arrive $0xFFFF;
	s2 =	simm.s32 @!p0 $0x1C02  }
0x45: {  	[timem:s3], [sflag:s2] =	dma.local @!p0 [hbm:s0], s1  }
0x46: {  	s0 =	simm.s32 @!p0 $0x2  }
0x47: {  	_ =	swait.ge @!p0 [sflag:s0], s1  }
0x48: {  	s1 =	ssub.s32 @!p0 $0x0, s1;
	[sflag:s0] =	ssyncset.done @!p0 $0x0  }
0x49: {  	[sflag:s0] =	ssyncadd.s32 @!p0 s1  }
0x4a: {  	[bflag:$0x3] =	sbarrier.arrive $0xFFFF  }
0x4b: {  	_ =	shalt  }

// kernel: kernel.9.cloned.1.call-start
scs
__scs_entry_jumppad:
0x0: {  	(pc) =	sbr.rel $0x88, $3  }
0x1: {  	(tag) =	ssettag $0x0;
	lr =	simm.s32 $0x1  }
0x2: {  	[smem:$0x3F9C] =	sst lr;
	_ =	strace $0xD0000000  }
0x3: {  	_ = 	snop  }
0x4: {  	_ = 	snop  }
0x5: {  	_ = 	snop  }
0x6: {  	_ = 	snop  }
0x7: {  	_ = 	snop  }
__scs_overlays_trampoline_lowered:
0x8: {  	[smem:$0x3FAB] =	sst s0  }
0x9: {  	[smem:$0x3FAC] =	sst s1  }
0xa: {  	[smem:$0x3FAD] =	sst s2  }
0xb: {  	[smem:$0x3FAE] =	sst s3  }
0xc: {  	[smem:$0x3FAF] =	sst s4  }
0xd: {  	[smem:$0x3FB0] =	sst s5  }
0xe: {  	[smem:$0x3FB1] =	sst s6  }
0xf: {  	[smem:$0x3FB2] =	sst s7  }
0x10: {  	[smem:$0x3FB3] =	sst s8  }
0x11: {  	[smem:$0x3FB4] =	sst s9;
	s0 =	simm.s32 @!p0 $0x0  }
0x12: {  	s1 =	sld [smem:$0x3F9A];
	s0 =	simm.s32 @p0 $0x1  }
0x13: {  	[smem:$0x3FB5] =	sst s0;
	s0 =	simm.s32 @!p1 $0x0  }
0x14: {  	s2 =	sld [smem:$0x3F99];
	s0 =	simm.s32 @p1 $0x1  }
0x15: {  	[smem:$0x3FB6] =	sst s0;
	s0 =	simm.s32 @!p2 $0x0  }
0x16: {  	s3 =	sld [smem:$0x3FDB];
	s0 =	simm.s32 @p2 $0x1  }
0x17: {  	s4 =	simm.s32 $0x1BF5;
	[smem:$0x3FB8] =	sst s0  }
0x18: {  	s0 =	sld [smem:$0x3F9B];
	_ =	swait.ge [sflag:s4], $0x0  }
0x19: {  	s7 =	sld [smem:$0x3F9C]  }
0x1a: {  	s8 =	sadd.s32 $0xFFFFE003, lr  }
0x1b: {  	s9 =	sadd.s32 $0xFFFFFEF7, lr;
	s5 =	simm.s32 $0xFFFFFFFF;
	p2 =	slt.u32 s8, $0xFFFFF086  }
0x1c: {  	p1 =	slt.u32 s9, $0xF7A;
	s5 =	simm.s32 @!p2 $0x0  }
0x1d: {  	s5 =	simm.s32 @p1 $0x1;
	p0 =	seq.s32 s7, s2  }
0x1e: {  	s7 =	smul.u32 @!p0 $0xF7A, s2;
	p2 =	seq.s32 @!p0 s5, $0x0  }
0x1f: {  	s9 =	smul.u32 $0xF7A, s1;
	s8 =	simm.s32 @!p0 $0x1BF5;
	p2 =	por !p2, p0  }
0x20: {  	[sflag:s8] =	ssyncset.s32 @!p0 $0xFFFFF086;
	s6 =	sadd.s32 @!p0 s3, s7;
	s7 =	simm.s32 @!p0 $0x108  }
0x21: {  	s3 =	sadd.s32 s3, s9;
	s6 =	sadd.s32 @!p0 $0x88, s6;
	s7 =	simm.s32 @p2 $0x1082  }
0x22: {  	[simem:s7], [sflag:s8] =	dma.local @!p0 [hbm:s6], $0xF7A  }
0x23: {  	s9 =	sor.u32 $0xD0000000, s2;
	s6 =	simm.s32 $0x108;
	_ =	swait.ge @!p0 [sflag:s8], $0x0  }
0x24: {  	s3 =	sadd.s32 $0x88, s3;
	s6 =	simm.s32 @!p1 $0x1082;
	[sflag:s4] =	ssyncset.s32 $0xFFFFF086  }
0x25: {  	[simem:s6], [sflag:s4] =	dma.local [hbm:s3], $0xF7A  }
0x26: {  	[smem:$0x3F9C] =	sst s1;
	(tag) =	ssettag s2;
	_ =	strace s9  }
0x27: {  	s1 =	sld [smem:$0x3FAC]  }
0x28: {  	s2 =	sld [smem:$0x3FAD]  }
0x29: {  	s4 =	sld [smem:$0x3FAF]  }
0x2a: {  	p0 =	seq.s32 s5, $0x0;
	s5 =	sld [smem:$0x3FB0]  }
0x2b: {  	s6 =	sld [smem:$0x3FB1]  }
0x2c: {  	s7 =	sld [smem:$0x3FB2]  }
0x2d: {  	s3 =	simm.s32 $0x108;
	s8 =	sld [smem:$0x3FB3]  }
0x2e: {  	s3 =	simm.s32 @!p0 $0x1082;
	s9 =	sld [smem:$0x3FB4]  }
0x2f: {  	lr =	sadd.s32 s0, s3;
	s0 =	sld [smem:$0x3FAB]  }
0x30: {  	s3 =	sld [smem:$0x3FAE]  }
0x31: {  	[smem:$0x3FB7] =	sst s10  }
0x32: {  	s10 =	sld [smem:$0x3FB5];
	_ =	sdelay $0x3  }
0x33: {  	p0 =	seq.s32 s10, $0x1;
	s10 =	sld [smem:$0x3FB7];
	_ =	sdelay $0x3  }
0x34: {  	[smem:$0x3FB7] =	sst s10  }
0x35: {  	s10 =	sld [smem:$0x3FB6];
	_ =	sdelay $0x3  }
0x36: {  	p1 =	seq.s32 s10, $0x1;
	s10 =	sld [smem:$0x3FB7];
	_ =	sdelay $0x3  }
0x37: {  	[smem:$0x3FB7] =	sst s10  }
0x38: {  	s10 =	sld [smem:$0x3FB8]  }
0x39: {  	_ = 	snop;
	(pc) =	sbr.ind lr, $3  }
0x3a: {  	_ = 	snop  }
0x3b: {  	_ = 	snop  }
0x3c: {  	p2 =	seq.s32 s10, $0x1;
	s10 =	sld [smem:$0x3FB7]  }
0x3d: {  	_ =	shalt  }
0x3e: {  	_ =	shalt  }
0x3f: {  	_ =	shalt  }
0x40: {  	_ =	shalt  }
0x41: {  	_ =	shalt  }
0x42: {  	_ =	shalt  }
0x43: {  	_ =	shalt  }
0x44: {  	_ =	shalt  }
0x45: {  	_ =	shalt  }
0x46: {  	_ =	shalt  }
0x47: {  	_ =	shalt  }
0x48: {  	_ =	shalt  }
0x49: {  	_ =	shalt  }
0x4a: {  	_ =	shalt  }
0x4b: {  	_ =	shalt  }
0x4c: {  	_ =	shalt  }
0x4d: {  	_ =	shalt  }
0x4e: {  	_ =	shalt  }
0x4f: {  	_ =	shalt  }
0x50: {  	_ =	shalt  }
0x51: {  	_ =	shalt  }
0x52: {  	_ =	shalt  }
0x53: {  	_ =	shalt  }
0x54: {  	_ =	shalt  }
0x55: {  	_ =	shalt  }
0x56: {  	_ =	shalt  }
0x57: {  	_ =	shalt  }
0x58: {  	_ =	shalt  }
0x59: {  	_ =	shalt  }
0x5a: {  	_ =	shalt  }
0x5b: {  	_ =	shalt  }
0x5c: {  	_ =	shalt  }
0x5d: {  	_ =	shalt  }
0x5e: {  	_ =	shalt  }
0x5f: {  	_ =	shalt  }
0x60: {  	_ =	shalt  }
0x61: {  	_ =	shalt  }
0x62: {  	_ =	shalt  }
0x63: {  	_ =	shalt  }
0x64: {  	_ =	shalt  }
0x65: {  	_ =	shalt  }
0x66: {  	_ =	shalt  }
0x67: {  	_ =	shalt  }
0x68: {  	_ =	shalt  }
0x69: {  	_ =	shalt  }
0x6a: {  	_ =	shalt  }
0x6b: {  	_ =	shalt  }
0x6c: {  	_ =	shalt  }
0x6d: {  	_ =	shalt  }
0x6e: {  	_ =	shalt  }
0x6f: {  	_ =	shalt  }
0x70: {  	_ =	shalt  }
0x71: {  	_ =	shalt  }
0x72: {  	_ =	shalt  }
0x73: {  	_ =	shalt  }
0x74: {  	_ =	shalt  }
0x75: {  	_ =	shalt  }
0x76: {  	_ =	shalt  }
0x77: {  	_ =	shalt  }
0x78: {  	_ =	shalt  }
0x79: {  	_ =	shalt  }
0x7a: {  	_ =	shalt  }
0x7b: {  	_ =	shalt  }
0x7c: {  	_ =	shalt  }
0x7d: {  	_ =	shalt  }
0x7e: {  	_ =	shalt  }
0x7f: {  	_ =	shalt  }
0x80: {  	_ =	shalt  }
0x81: {  	_ =	shalt  }
0x82: {  	_ =	shalt  }
0x83: {  	_ =	shalt  }
0x84: {  	_ =	shalt  }
0x85: {  	_ =	shalt  }
0x86: {  	_ =	shalt  }
0x87: {  	_ =	shalt  }
.Lfunc_end0:
.L_simem_size_0:
called_computation_lowered:
.L_overlay_start_0:
0x88: {  	s2 =	sld [smem:$0x3FD9]  }
0x89: {  	s3 =	sld [smem:$0x3FFE];
	_ =	sdelay $0x1  }
0x8a: {  	s1 =	srdreg.scid  }
0x8b: {  	s0 =	sand.u32 $0x1, s1  }
0x8c: {  	s17 =	sshll.u32 s0, $0xA;
	s2 =	sadd.s32 s3, s2  }
0x8d: {  	s2 =	sadd.s32 s2, s17  }
0x8e: {  	[smem:$0x3FC3] =	sst s2  }
0x8f: {  	_ = 	snop  }
0x90: {  	s2 =	sld [smem:$0x3FD0];
	(tm) =	ssettm $0x1  }
0x91: {  	s18 =	sld [smem:$0x3FFB];
	_ =	sdelay $0x3  }
0x92: {  	_ =	strace s18  }
0x93: {  	s3 =	sld [smem:$0x3FFC];
	_ =	sdelay $0x3  }
0x94: {  	_ =	strace s3  }
0x95: {  	s3 =	sld [smem:$0x3FFD];
	_ =	sdelay $0x3  }
0x96: {  	_ =	strace s3  }
0x97: {  	_ =	strace $0x8FFFFFFF  }
0x98: {  	s19 =	sld [smem:$0x3FDB];
	_ =	sdelay $0x1  }
0x99: {  	s4 =	simm.s32 $_scs_section_size  }
0x9a: {  	s5 =	simm.s32 $_size__tile_overlayer_lowered;
	s6 =	simm.s32 $_tile_overlayer_lowered  }
0x9b: {  	s22 =	simm.s32 $0x1BFF;
	s21 =	sshll.u32 s6, $0x1;
	s3 =	sadd.s32 s4, s19  }
0x9c: {  	s7 =	simm.s32 $0x0;
	s20 =	sshll.u32 s5, $0x1;
	s5 =	sadd.s32 s21, s3  }
0x9d: {  	[timem:s7], [sflag:s22] =	dma.local [hbm:s5], s20  }
0x9e: {  	_ =	swait.ge [sflag:s22], s20  }
0x9f: {  	s4 =	ssub.s32 $0x0, s20;
	[sflag:s22] =	ssyncset.done $0x0  }
0xa0: {  	[sflag:s22] =	ssyncadd.s32 s4;
	_ =	sdelay $0x1  }
0xa1: {  	s23 =	simm.s32 $0x1B8B  }
0xa2: {  	_ =	swait.ge [sflag:s23], $0x1  }
0xa3: {  	[sflag:s23] =	ssyncset.done $0x0  }
0xa4: {  	s25 =	simm.s32 $0x1B8E;
	s24 =	sld [smem:$0x3FFE];
	[sflag:s23] =	ssyncadd.s32 $0xFFFFFFFF  }
0xa5: {  	s26 =	simm.s32 $execute0_lowered;
	[smem:$0x3FD2] =	sst s25  }
0xa6: {  	s5 =	sshll.u32 s26, $0x1;
	_ =	strace $0x80000046;
	[dreg:$0x1] =	wrdreg $0xFFFFFFFF  }
0xa7: {  	s28 =	simm.s32 $_size_execute0_lowered;
	s3 =	sadd.s32 s3, s5;
	[dreg:$0x0] =	wrdreg $0x0  }
0xa8: {  	s5 =	sshll.u32 s28, $0x1;
	[dreg:$0x2] =	wrdreg s3  }
0xa9: {  	[dreg:$0x3] =	wrdreg s5  }
0xaa: {  	[dreg:$0x4] =	wrdreg $0xC0  }
0xab: {  	_ =	task [dreg:s7], $0x5FFFF  }
0xac: {  	[dreg:$0x1] =	wrdreg $0xFFFFFFFF  }
0xad: {  	[dreg:$0x0] =	wrdreg $0x60  }
0xae: {  	[dreg:$0x2] =	wrdreg s24  }
0xaf: {  	[dreg:$0x3] =	wrdreg s2  }
0xb0: {  	[dreg:$0x4] =	wrdreg $0x41000  }
0xb1: {  	[dreg:$0x5] =	wrdreg $0x9  }
0xb2: {  	_ =	task.clear_ibuf [dreg:s7], $0x6FFFF;
	_ =	strace $0x90000046  }
0xb3: {  	s29 =	simm.s32 $0x9;
	_ =	strace $0x80000048  }
0xb4: {  	_ =	swait.ge [sflag:s29], $0x1  }
0xb5: {  	[sflag:s29] =	ssyncadd.s32 $0xFFFFFFFF  }
0xb6: {  	_ =	strace $0x90000048  }
0xb7: {  	_ =	sfence  }
0xb8: {  	s30 =	sld [smem:$0x0];
	_ =	sdelay $0x2  }
0xb9: {  	s31 =	sshll.u32 s1, $0xD;
	s1 =	sshrl.u32 s1, $0x2  }
0xba: {  	s3 =	sand.u32 $0x4000, s31;
	s1 =	sadd.s32 s1, s30  }
0xbb: {  	s0 =	sor.u32 s3, s0;
	s1 =	sshll.u32 s1, $0x11  }
0xbc: {  	s0 =	sor.u32 s1, s0  }
0xbd: {  	s0 =	sadd.s32 $0x8F2B, s0  }
0xbe: {  	[sflag:s0] =	ssyncadd.remote.s32 $0x1  }
0xbf: {  	_ =	sfence.sel $0xFFFF  }
0xc0: {  	[dreg:$0x0] =	wrdreg $0xFFFFFFFF;
	(pc) =	sbr.abs _section_cstart, $3  }
0xc1: {  	[dreg:$0x1] =	wrdreg $0xFFFFFFFF  }
0xc2: {  	_ =	task.clear_ibuf [dreg:s7], $0x2FFFF;
	_ =	strace $0x9FFFFFFF  }
0xc3: {  	(tm) =	ssettm $0x7FFFFFFF  }
tec
execute0_lowered:
.L_overlay_start_1:
0x0: {  	(tag) =	ssettag $0x1  }
0x1: {  	s6 =	rddreg [dreg:$0x0]  }
0x2: {  	s2 =	rddreg [dreg:$0x1]  }
0x3: {  	s3 =	rddreg [dreg:$0x2]  }
0x4: {  	s0 =	stileid.u32;
	s4 =	srdreg.scid  }
0x5: {  	s1 =	rddreg [dreg:$0x3];
	s13 =	simm.s32 $0x100;
	s5 =	smul.u32 $0x60, s0  }
0x6: {  	s14 =	simm.s32 $0x80;
	s15 =	simm.s32 $0x0;
	s8 =	smul.u32 $0x3D, s0  }
0x7: {  	s7 =	sand.u32 $0x1, s4;
	s4 =	simm.s32 $0x0;
	s25 =	smul.u32 $0x14000, s0  }
0x8: {  	s28 =	smul.u32 $0x50000, s0;
	s31 =	sshll.u32 s0, $0x6;
	p0 =	seq.s32 s7, $0x0  }
0x9: {  	s9 =	smul.u32 $0x140000, s7;
	[smem:$0x7FF] =	sst s4;
	s7 =	ssub.s32 $0x2, s7  }
0xa: {  	s5 =	sadd.s32 $0x3D0, s5;
	_ =	strace $0x80000047;
	s29 =	sshrl.u32 s7, $0x1  }
0xb: {  	s30 =	sshrl.u32 s28, $0x2;
	s5 =	smov.u32 @p0 s8;
	s26 =	sadd.s32 s25, s9  }
0xc: {  	s11 =	ssub.s32 s7, s29;
	s12 =	sadd.s32 s30, s3;
	s7 =	simm.s32 $0x3D  }
0xd: {  	s5 =	sshll.u32 s5, $0x5;
	s8 =	sshrl.u32 s26, $0x3;
	s7 =	simm.s32 @!p0 $0x60  }
0xe: {  	s9 =	smax.u32 s11, $0x1;
	s11 =	sshrl.u32 s12, $0x3;
	s12 =	simm.s32 $0x1  }
0xf: {  	s10 =	sadd.s32 s5, s6;
	s5 =	sadd.s32 $0x15800, s6;
	s8 =	sadd.s32 s8, s6  }
0x10: {  	s6 =	sor.u32 $0x1C01, s31;
	s8 =	sadd.s32 $0x18000, s8;
	s10 =	sadd.s32 $0x1E10, s10  }
.LBB2_1:
0x11: {  	[spmem:s11], [sflag:s6] =	dma.local [hbm:s5], $0x2800  }
0x12: {  	_ =	swait.ge [sflag:s12], $0x2800  }
0x13: {  	[sflag:s12] =	ssyncset.done $0x0  }
0x14: {  	[sflag:s12] =	ssyncadd.s32 $0xFFFFD800  }
0x15: {  	[tilespmem:s13], [sflag:$0x1] =	stream.linear.gather [hbm4b:s2+s4], $0x4000, $0x38;
	[tilespmem:$0x18100] =	vst v63  }
0x16: {  	_ =	swait.ge [sflag:s12], $0x4000  }
0x17: {  	[sflag:s12] =	ssyncset.done $0x0  }
0x18: {  	[sflag:s12] =	ssyncadd.s32 $0xFFFFC000  }
0x19: {  	[bflag:$0x0] =	sbarrier.arrive $0xFFFF  }
0x1a: {  	[tilespmem:s14], [sflag:$0x1] =	stream.linear.gather [hbm4b:s10+s4], $0x80, $0x38;
	[tilespmem:$0x18100] =	vst v63  }
0x1b: {  	p0 =	sne.s32 s7, $0x1;
	_ =	swait.ge [sflag:s12], $0x80  }
.Ltmp0:
0x1c: {  	[sflag:s12] =	ssyncset.done $0x0;
	(pc) =	sbr.rel @!p0 .LBB2_3-.Ltmp0, $4  }
0x1d: {  	[sflag:s12] =	ssyncadd.s32 $0xFFFFFF80  }
0x1e: {  	[spmem:s3] =	stream.indirect.scatter.add.f32 [tilespmem:s13], [sflag:$0x1], $0x80, s14, s14, $0xb8;
	[tilespmem:$0x18100] =	vst v63  }
0x1f: {  	_ =	swait.ge [sflag:s12], $0x4000  }
0x20: {  	s16 =	sadd.s32 $0xFFFFFFFF, s7;
	s17 =	smov.u32 s10;
	[sflag:s12] =	ssyncset.done $0x0  }
.LBB2_2:
0x21: {  	p0 =	sne.s32 s16, $0x1;
	[sflag:s12] =	ssyncadd.s32 $0xFFFFC000;
	s17 =	sadd.s32 $0x20, s17  }
0x22: {  	[tilespmem:s14], [sflag:$0x1] =	stream.linear.gather [hbm4b:s17+s4], $0x80, $0x38;
	[tilespmem:$0x18100] =	vst v63  }
0x23: {  	s16 =	sadd.s32 $0xFFFFFFFF, s16;
	_ =	swait.ge [sflag:s12], $0x80  }
.Ltmp1:
0x24: {  	[sflag:s12] =	ssyncset.done $0x0;
	(pc) =	sbr.rel @p0 .LBB2_2-.Ltmp1, $4  }
0x25: {  	[sflag:s12] =	ssyncadd.s32 $0xFFFFFF80  }
0x26: {  	[spmem:s3] =	stream.indirect.scatter.add.f32 [tilespmem:s13], [sflag:$0x1], $0x80, s14, s14, $0xb8;
	[tilespmem:$0x18100] =	vst v63  }
0x27: {  	_ =	swait.ge [sflag:s12], $0x4000  }
0x28: {  	[sflag:s12] =	ssyncset.done $0x0  }
.LBB2_3:
0x29: {  	s15 =	sadd.s32 $0x1, s15  }
0x2a: {  	[sflag:s12] =	ssyncadd.s32 $0xFFFFC000;
	p0 =	sne.s32 s15, s9  }
.Ltmp2:
0x2b: {  	[bflag:$0x0] =	sbarrier.arrive $0xFFFF;
	(pc) =	sbr.rel @p0 .LBB2_1-.Ltmp2, $4  }
0x2c: {  	[hbm:s8], [sflag:s6] =	dma.local [spmem:s11], $0x2800  }
0x2d: {  	_ =	swait.ge [sflag:s12], $0x2800  }
0x2e: {  	[sflag:s12] =	ssyncset.done $0x0  }
0x2f: {  	[sflag:s12] =	ssyncadd.s32 $0xFFFFD800  }
0x30: {  	_ =	sfence.sel $0x180000  }
0x31: {  	[bflag:$0x0] =	sbarrier.arrive $0xFFFF  }
0x32: {  	p0 =	sne.s32 s0, $0x0;
	_ =	strace $0x90000047  }
0x33: {  	s0 =	sadd.s32 @!p0 $0x100000, s1;
	[bflag:$0x2] =	sbarrier.arrive $0xFFFF  }
0x34: {  	[sflag:s0] =	ssyncadd.tile.s32 @!p0 $0x1;
	_ =	shalt  }
.Lfunc_end2:
_tile_overlayer_lowered:
.L_overlay_start_2:
0x35: {  	(tag) =	ssettag $0x2  }
0x36: {  	s0 =	rddreg [dreg:$0x0];
	s2 =	stileid.u32  }
0x37: {  	s1 =	rddreg [dreg:$0x1];
	p0 =	sne.s32 s2, $0x0  }
0x38: {  	s3 =	rddreg [dreg:$0x2];
	[bflag:$0x3] =	sbarrier.arrive $0xFFFF;
	s2 =	simm.s32 @!p0 $0x1C01  }
0x39: {  	[timem:s3], [sflag:s2] =	dma.local @!p0 [hbm:s0], s1  }
0x3a: {  	s0 =	simm.s32 @!p0 $0x1  }
0x3b: {  	_ =	swait.ge @!p0 [sflag:s0], s1  }
0x3c: {  	s1 =	ssub.s32 @!p0 $0x0, s1;
	[sflag:s0] =	ssyncset.done @!p0 $0x0  }
0x3d: {  	[sflag:s0] =	ssyncadd.s32 @!p0 s1  }
0x3e: {  	[bflag:$0x3] =	sbarrier.arrive $0xFFFF  }
0x3f: {  	_ =	shalt  }

</sc_bundles>
